<compile_context>
chip_gen: v7x
topology: tpu7x:2x2x1
jax: 0.10.2.dev20260603
libtpu: 0.0.44.dev20260713+nightly
codegen_flags: <defaults>
</compile_context>

<pallas_src>
import functools

import jax
import jax.numpy as jnp
from jax import lax
from jax.experimental import pallas as pl
from jax.experimental.pallas import tpu as pltpu
from jax.experimental.pallas import tpu_sc as plsc

N_NODES = 10000
DIM = 128
N_REL = 4
N_BLK = 4
BS = 32
N_EDGES = 160000

NW = 32
CHUNK = 128
E2 = 2 * N_EDGES
K = 4 * (-(-E2 // (NW * CHUNK * 4)))
E2P = NW * K * CHUNK
PAD = E2P - E2
ACC_ROWS = 10112
ROWS_PER_TILE = ACC_ROWS // 16


def _transform_body(x_ref, m_ref, blk_ref, y_ref):
    r = pl.program_id(0)
    xb = x_ref[...]
    z = jnp.zeros((BS, BS), jnp.float32)
    w = jnp.concatenate([
        jnp.concatenate([blk_ref[0, b] if j == b else z
                         for j in range(N_BLK)], axis=1)
        for b in range(N_BLK)], axis=0)
    yr = jnp.dot(xb, w, preferred_element_type=jnp.float32)
    y_ref[pl.ds(0, N_NODES), :] = jnp.where(r == N_REL, yr * m_ref[...], yr)


def _transform(x, maskf, blocks):
    return pl.pallas_call(
        _transform_body,
        grid=(N_REL + 1,),
        in_specs=[
            pl.BlockSpec((N_NODES, DIM), lambda r: (0, 0)),
            pl.BlockSpec((N_NODES, 1), lambda r: (0, 0)),
            pl.BlockSpec((1, N_BLK, BS, BS), lambda r: (r, 0, 0, 0)),
        ],
        out_specs=pl.BlockSpec((ACC_ROWS, DIM), lambda r: (r, 0)),
        out_shape=jax.ShapeDtypeStruct(((N_REL + 1) * ACC_ROWS, DIM),
                                       jnp.float32),
    )(x, maskf, blocks)


SOFF = N_REL * ACC_ROWS


def _sc_scatter(yflat, gidx, sidx, zeros):
    mesh = plsc.VectorSubcoreMesh(core_axis_name="c", subcore_axis_name="s")

    @functools.partial(
        pl.kernel,
        mesh=mesh,
        out_type=jax.ShapeDtypeStruct((2, ACC_ROWS, DIM), jnp.float32),
        scratch_types=[
            pltpu.VMEM((4, 2, CHUNK), jnp.int32),
            pltpu.VMEM((CHUNK, DIM), jnp.float32),
            pltpu.VMEM((CHUNK, DIM), jnp.float32),
            pltpu.VMEM_SHARED((ACC_ROWS, DIM), jnp.float32),
            pltpu.SemaphoreType.DMA,
            pltpu.SemaphoreType.DMA,
            pltpu.SemaphoreType.DMA,
            pltpu.SemaphoreType.DMA,
            pltpu.SemaphoreType.DMA,
            pltpu.SemaphoreType.DMA,
            pltpu.SemaphoreType.DMA,
            pltpu.SemaphoreType.DMA,
        ],
    )
    def body(yflat_hbm, gidx_hbm, sidx_hbm, zeros_hbm, out_hbm,
             ring, rows_a, rows_b, acc, g0, g1, s0, s1, i0, i1, i2, i3):
        cid = lax.axis_index("c")
        sid = lax.axis_index("s")
        wid = cid * 16 + sid
        base = wid * (K * CHUNK)
        rows = (rows_a, rows_b)
        gsem = (g0, g1)
        ssem = (s0, s1)
        isem = (i0, i1, i2, i3)

        def idx_start(row, slot):
            sl = pl.ds(base + row * CHUNK, CHUNK)
            pltpu.async_copy(gidx_hbm.at[sl], ring.at[slot, 0], isem[slot])
            pltpu.async_copy(sidx_hbm.at[sl], ring.at[slot, 1], isem[slot])

        def idx_wait(row, slot):
            sl = pl.ds(base + row * CHUNK, CHUNK)
            pltpu.make_async_copy(gidx_hbm.at[sl], ring.at[slot, 0],
                                  isem[slot]).wait()
            pltpu.make_async_copy(sidx_hbm.at[sl], ring.at[slot, 1],
                                  isem[slot]).wait()

        for u in range(4):
            idx_start(u, u)
        idx_wait(0, 0)
        pltpu.async_copy(yflat_hbm.at[ring.at[0, 0]], rows[0], gsem[0])

        sl_init = pl.ds(sid * ROWS_PER_TILE, ROWS_PER_TILE)

        @pl.when(cid == 0)
        def _():
            pltpu.sync_copy(
                yflat_hbm.at[pl.ds(SOFF + sid * ROWS_PER_TILE,
                                   ROWS_PER_TILE)],
                acc.at[sl_init])

        @pl.when(cid == 1)
        def _():
            pltpu.sync_copy(zeros_hbm, acc.at[sl_init])

        plsc.subcore_barrier()


        def quad(i, carry):
            for u in range(4):
                j = 4 * i + u
                sl, slp, sl1 = u, (u + 3) % 4, (u + 1) % 4
                bj, bj1 = rows[u % 2], rows[(u + 1) % 2]
                pltpu.make_async_copy(yflat_hbm.at[ring.at[sl, 0]],
                                      bj, gsem[u % 2]).wait()
                pltpu.async_copy(bj, acc.at[ring.at[sl, 1]], ssem[u % 2],
                                 add=True)

                @pl.when(j > 0)
                def _():
                    pltpu.make_async_copy(bj1, acc.at[ring.at[slp, 1]],
                                          ssem[(u + 1) % 2]).wait()

                @pl.when(jnp.logical_and(j > 0, j + 3 < K))
                def _():
                    idx_start(j + 3, slp)

                @pl.when(j + 1 < K)
                def _():
                    idx_wait(j + 1, sl1)
                    pltpu.async_copy(yflat_hbm.at[ring.at[sl1, 0]],
                                     bj1, gsem[(u + 1) % 2])
            return carry

        lax.fori_loop(0, K // 4, quad, 0)
        pltpu.make_async_copy(rows[(K - 1) % 2],
                              acc.at[ring.at[(K - 1) % 4, 1]],
                              ssem[(K - 1) % 2]).wait()
        plsc.subcore_barrier()
        pltpu.sync_copy(
            acc.at[pl.ds(sid * ROWS_PER_TILE, ROWS_PER_TILE)],
            out_hbm.at[cid].at[pl.ds(sid * ROWS_PER_TILE, ROWS_PER_TILE)])

    return body(yflat, gidx, sidx, zeros)


def _combine_body(p0_ref, p1_ref, o_ref):
    o_ref[...] = p0_ref[0] + p1_ref[0]


def _combine(p):
    br = 2000
    return pl.pallas_call(
        _combine_body,
        grid=(N_NODES // br,),
        in_specs=[
            pl.BlockSpec((1, br, DIM), lambda i: (0, i, 0)),
            pl.BlockSpec((1, br, DIM), lambda i: (1, i, 0)),
        ],
        out_specs=pl.BlockSpec((br, DIM), lambda i: (i, 0)),
        out_shape=jax.ShapeDtypeStruct((N_NODES, DIM), jnp.float32),
    )(p, p)


def kernel(x, node_keep_mask, source, target, edge_type, blocks):
    maskf = node_keep_mask.astype(jnp.float32).reshape(N_NODES, 1)
    source = source.astype(jnp.int32)
    target = target.astype(jnp.int32)
    edge_type = edge_type.astype(jnp.int32)

    gidx = jnp.concatenate([edge_type * ACC_ROWS + source,
                            edge_type * ACC_ROWS + target])
    sidx = jnp.concatenate([target, source])
    pad = jnp.arange(PAD, dtype=jnp.int32)
    gidx = jnp.concatenate([gidx, (pad * 131) % (N_REL * ACC_ROWS)])
    sidx = jnp.concatenate([sidx, N_NODES + (pad % (ACC_ROWS - N_NODES))])

    yflat = _transform(x, maskf, blocks)
    zeros = jnp.zeros((ROWS_PER_TILE, DIM), jnp.float32)
    p = _sc_scatter(yflat, gidx, sidx, zeros)
    return _combine(p)

# --- scband reference (transcript-rebuilt; emitter-appended) ---
"""Pipeline reference for scband-block-decomposition-5265629905642 (READ-ONLY COPY).

The authoritative reference and input builder live on the scoring server;
editing this copy changes nothing except your own understanding.
"""

import jax, jax.numpy as jnp
import numpy as np

NUM_NODES = 10000
NUM_EDGES = 160000
INPUT_DIM = 128
NUM_RELATIONS = 4
NUM_BLOCKS = 4
BLOCK_SIZE = INPUT_DIM // NUM_BLOCKS


def setup_inputs(seed: int = 0) -> dict:
    key = jax.random.key(seed)
    k1, k2, k3, k4, k5 = jax.random.split(key, 5)
    x = jax.random.normal(k1, (NUM_NODES, INPUT_DIM), dtype=jnp.float32)
    node_keep_mask = jnp.ones((NUM_NODES,), dtype=bool)
    source = jax.random.randint(k2, (NUM_EDGES,), 0, NUM_NODES)
    target = jax.random.randint(k3, (NUM_EDGES,), 0, NUM_NODES)
    edge_type = jax.random.randint(k4, (NUM_EDGES,), 0, NUM_RELATIONS)
    std = np.sqrt(2.0) / (2 * BLOCK_SIZE)
    blocks = jax.random.normal(k5, (NUM_RELATIONS + 1, NUM_BLOCKS, BLOCK_SIZE, BLOCK_SIZE), dtype=jnp.float32) * std
    return {"x": x, "node_keep_mask": node_keep_mask, "source": source, "target": target, "edge_type": edge_type, "blocks": blocks}


def _block_matmul(xg, blk):
    # xg: (M, D); blk: (nb, bs, bs). Equivalent to per-block x[:, start:stop] @ block, concatenated.
    nb, bs, _ = blk.shape
    xr = xg.reshape(xg.shape[0], nb, bs)
    m = jnp.einsum('enb,nbc->enc', xr, blk)
    return m.reshape(xg.shape[0], nb * bs)


def reference(x, node_keep_mask, source, target, edge_type, blocks):
    num_relations = blocks.shape[0] - 1
    # self-loop block-diagonal transform, masked by node_keep_mask (out starts as zeros)
    s = _block_matmul(x, blocks[-1])
    out = jnp.where(node_keep_mask[:, None], s, jnp.zeros_like(s))
    for r in range(num_relations):
        mask_r = (edge_type == r).astype(x.dtype)
        # symmetrized edges: cat([source,target]) -> cat([target,source])
        # direction 1: gather source, scatter-add to target
        m1 = _block_matmul(jnp.take(x, source, axis=0), blocks[r]) * mask_r[:, None]
        out = out.at[target].add(m1)
        # direction 2: gather target, scatter-add to source
        m2 = _block_matmul(jnp.take(x, target, axis=0), blocks[r]) * mask_r[:, None]
        out = out.at[source].add(m2)
    return out

if __name__ == "__main__":
    import jax
    _d = setup_inputs()
    print(jax.jit(kernel)(*tuple(_d.values())))

</pallas_src>

<mosaic_0001>
#map = affine_map<(d0, d1) -> (0, 0)>
#map1 = affine_map<(d0, d1) -> (0)>
#map2 = affine_map<(d0, d1) -> (0, 0, 0)>
module attributes {stable_mosaic.version = 14 : i64} {
  func.func @body(%arg0: i32, %arg1: i32, %arg2: memref<50560x128xf32, #tpu.memory_space<hbm>>, %arg3: memref<327680xi32, #tpu.memory_space<hbm>>, %arg4: memref<327680xi32, #tpu.memory_space<hbm>>, %arg5: memref<632x128xf32, #tpu.memory_space<hbm>>, %arg6: memref<2x10112x128xf32, #tpu.memory_space<hbm>>, %arg7: memref<4x2x128xi32, #tpu.memory_space<vmem>>, %arg8: memref<128x128xf32, #tpu.memory_space<vmem>>, %arg9: memref<128x128xf32, #tpu.memory_space<vmem>>, %arg10: memref<10112x128xf32, #tpu.memory_space<vmem_shared>>, %arg11: memref<!tpu.dma_semaphore, #tpu.memory_space<semaphore_mem>>, %arg12: memref<!tpu.dma_semaphore, #tpu.memory_space<semaphore_mem>>, %arg13: memref<!tpu.dma_semaphore, #tpu.memory_space<semaphore_mem>>, %arg14: memref<!tpu.dma_semaphore, #tpu.memory_space<semaphore_mem>>, %arg15: memref<!tpu.dma_semaphore, #tpu.memory_space<semaphore_mem>>, %arg16: memref<!tpu.dma_semaphore, #tpu.memory_space<semaphore_mem>>, %arg17: memref<!tpu.dma_semaphore, #tpu.memory_space<semaphore_mem>>, %arg18: memref<!tpu.dma_semaphore, #tpu.memory_space<semaphore_mem>>) attributes {dimension_semantics = [#tpu.dimension_semantics<core_parallel>, #tpu.dimension_semantics<subcore_parallel>], iteration_bounds = array<i64: 2, 16>, scalar_prefetch = 0 : i64, scratch_operands = 12 : i64, tpu.core_type = #tpu.core_type<sc_vector_subcore>, window_params = [{transform_indices = #map}, {transform_indices = #map1}, {transform_indices = #map1}, {transform_indices = #map}, {transform_indices = #map2}]} {
    %mul3A = arith.constant 16 : i32
    %mul3A_0 = arith.muli %arg0, %mul3A : i32
    %add3A = arith.addi %mul3A_0, %arg1 : i32
    %mul3A_1 = arith.constant 10240 : i32
    %mul3A_2 = arith.muli %add3A, %mul3A_1 : i32
    %add3A_3 = arith.constant 0 : i32
    %add3A_4 = arith.addi %mul3A_2, %add3A_3 : i32
    %dma_start3A = arith.constant 0 : i32
    %dma_start3A_5 = arith.constant 0 : i32
    %dma_start3A_6 = arith.constant 0 : i32
    %dma_start3A_7 = tpu.memref_slice %arg7[%dma_start3A, %dma_start3A_5, %dma_start3A_6] : memref<4x2x128xi32, #tpu.memory_space<vmem>> -> memref<1x1x128xi32, #tpu.memory_space<vmem>>
    %dma_start3A_8 = tpu.memref_squeeze %dma_start3A_7 : memref<1x1x128xi32, #tpu.memory_space<vmem>> -> memref<128xi32, #tpu.memory_space<vmem>>
    %dma_start3A_9 = tpu.memref_slice %arg3[%add3A_4] : memref<327680xi32, #tpu.memory_space<hbm>> -> memref<128xi32, #tpu.memory_space<hbm>>
    %dma_start3A_10 = arith.constant 0 : i32
    %dma_start3A_11 = tpu.memref_slice %arg7[%dma_start3A, %dma_start3A_5, %dma_start3A_10] : memref<4x2x128xi32, #tpu.memory_space<vmem>> -> memref<1x1x128xi32, #tpu.memory_space<vmem>>
    %dma_start3A_12 = tpu.memref_squeeze %dma_start3A_11 : memref<1x1x128xi32, #tpu.memory_space<vmem>> -> memref<128xi32, #tpu.memory_space<vmem>>
    %dma_start3A_13 = tpu.memref_slice %arg3[%add3A_4] : memref<327680xi32, #tpu.memory_space<hbm>> -> memref<128xi32, #tpu.memory_space<hbm>>
    tpu.enqueue_dma source(%dma_start3A_13 : memref<128xi32, #tpu.memory_space<hbm>>) target(%dma_start3A_12 : memref<128xi32, #tpu.memory_space<vmem>>) target_semaphore(%arg15 : memref<!tpu.dma_semaphore, #tpu.memory_space<semaphore_mem>>)
    %dma_start3A_14 = arith.constant 0 : i32
    %dma_start3A_15 = arith.constant 1 : i32
    %dma_start3A_16 = arith.constant 0 : i32
    %dma_start3A_17 = tpu.memref_slice %arg7[%dma_start3A_14, %dma_start3A_15, %dma_start3A_16] : memref<4x2x128xi32, #tpu.memory_space<vmem>> -> memref<1x1x128xi32, #tpu.memory_space<vmem>>
    %dma_start3A_18 = tpu.memref_squeeze %dma_start3A_17 : memref<1x1x128xi32, #tpu.memory_space<vmem>> -> memref<128xi32, #tpu.memory_space<vmem>>
    %dma_start3A_19 = tpu.memref_slice %arg4[%add3A_4] : memref<327680xi32, #tpu.memory_space<hbm>> -> memref<128xi32, #tpu.memory_space<hbm>>
    %dma_start3A_20 = arith.constant 0 : i32
    %dma_start3A_21 = tpu.memref_slice %arg7[%dma_start3A_14, %dma_start3A_15, %dma_start3A_20] : memref<4x2x128xi32, #tpu.memory_space<vmem>> -> memref<1x1x128xi32, #tpu.memory_space<vmem>>
    %dma_start3A_22 = tpu.memref_squeeze %dma_start3A_21 : memref<1x1x128xi32, #tpu.memory_space<vmem>> -> memref<128xi32, #tpu.memory_space<vmem>>
    %dma_start3A_23 = tpu.memref_slice %arg4[%add3A_4] : memref<327680xi32, #tpu.memory_space<hbm>> -> memref<128xi32, #tpu.memory_space<hbm>>
    tpu.enqueue_dma source(%dma_start3A_23 : memref<128xi32, #tpu.memory_space<hbm>>) target(%dma_start3A_22 : memref<128xi32, #tpu.memory_space<vmem>>) target_semaphore(%arg15 : memref<!tpu.dma_semaphore, #tpu.memory_space<semaphore_mem>>)
    %add3A_24 = arith.constant 128 : i32
    %add3A_25 = arith.addi %mul3A_2, %add3A_24 : i32
    %dma_start3A_26 = arith.constant 1 : i32
    %dma_start3A_27 = arith.constant 0 : i32
    %dma_start3A_28 = arith.constant 0 : i32
    %dma_start3A_29 = tpu.memref_slice %arg7[%dma_start3A_26, %dma_start3A_27, %dma_start3A_28] : memref<4x2x128xi32, #tpu.memory_space<vmem>> -> memref<1x1x128xi32, #tpu.memory_space<vmem>>
    %dma_start3A_30 = tpu.memref_squeeze %dma_start3A_29 : memref<1x1x128xi32, #tpu.memory_space<vmem>> -> memref<128xi32, #tpu.memory_space<vmem>>
    %dma_start3A_31 = tpu.memref_slice %arg3[%add3A_25] : memref<327680xi32, #tpu.memory_space<hbm>> -> memref<128xi32, #tpu.memory_space<hbm>>
    %dma_start3A_32 = arith.constant 0 : i32
    %dma_start3A_33 = tpu.memref_slice %arg7[%dma_start3A_26, %dma_start3A_27, %dma_start3A_32] : memref<4x2x128xi32, #tpu.memory_space<vmem>> -> memref<1x1x128xi32, #tpu.memory_space<vmem>>
    %dma_start3A_34 = tpu.memref_squeeze %dma_start3A_33 : memref<1x1x128xi32, #tpu.memory_space<vmem>> -> memref<128xi32, #tpu.memory_space<vmem>>
    %dma_start3A_35 = tpu.memref_slice %arg3[%add3A_25] : memref<327680xi32, #tpu.memory_space<hbm>> -> memref<128xi32, #tpu.memory_space<hbm>>
    tpu.enqueue_dma source(%dma_start3A_35 : memref<128xi32, #tpu.memory_space<hbm>>) target(%dma_start3A_34 : memref<128xi32, #tpu.memory_space<vmem>>) target_semaphore(%arg16 : memref<!tpu.dma_semaphore, #tpu.memory_space<semaphore_mem>>)
    %dma_start3A_36 = arith.constant 1 : i32
    %dma_start3A_37 = arith.constant 1 : i32
    %dma_start3A_38 = arith.constant 0 : i32
    %dma_start3A_39 = tpu.memref_slice %arg7[%dma_start3A_36, %dma_start3A_37, %dma_start3A_38] : memref<4x2x128xi32, #tpu.memory_space<vmem>> -> memref<1x1x128xi32, #tpu.memory_space<vmem>>
    %dma_start3A_40 = tpu.memref_squeeze %dma_start3A_39 : memref<1x1x128xi32, #tpu.memory_space<vmem>> -> memref<128xi32, #tpu.memory_space<vmem>>
    %dma_start3A_41 = tpu.memref_slice %arg4[%add3A_25] : memref<327680xi32, #tpu.memory_space<hbm>> -> memref<128xi32, #tpu.memory_space<hbm>>
    %dma_start3A_42 = arith.constant 0 : i32
    %dma_start3A_43 = tpu.memref_slice %arg7[%dma_start3A_36, %dma_start3A_37, %dma_start3A_42] : memref<4x2x128xi32, #tpu.memory_space<vmem>> -> memref<1x1x128xi32, #tpu.memory_space<vmem>>
    %dma_start3A_44 = tpu.memref_squeeze %dma_start3A_43 : memref<1x1x128xi32, #tpu.memory_space<vmem>> -> memref<128xi32, #tpu.memory_space<vmem>>
    %dma_start3A_45 = tpu.memref_slice %arg4[%add3A_25] : memref<327680xi32, #tpu.memory_space<hbm>> -> memref<128xi32, #tpu.memory_space<hbm>>
    tpu.enqueue_dma source(%dma_start3A_45 : memref<128xi32, #tpu.memory_space<hbm>>) target(%dma_start3A_44 : memref<128xi32, #tpu.memory_space<vmem>>) target_semaphore(%arg16 : memref<!tpu.dma_semaphore, #tpu.memory_space<semaphore_mem>>)
    %add3A_46 = arith.constant 256 : i32
    %add3A_47 = arith.addi %mul3A_2, %add3A_46 : i32
    %dma_start3A_48 = arith.constant 2 : i32
    %dma_start3A_49 = arith.constant 0 : i32
    %dma_start3A_50 = arith.constant 0 : i32
    %dma_start3A_51 = tpu.memref_slice %arg7[%dma_start3A_48, %dma_start3A_49, %dma_start3A_50] : memref<4x2x128xi32, #tpu.memory_space<vmem>> -> memref<1x1x128xi32, #tpu.memory_space<vmem>>
    %dma_start3A_52 = tpu.memref_squeeze %dma_start3A_51 : memref<1x1x128xi32, #tpu.memory_space<vmem>> -> memref<128xi32, #tpu.memory_space<vmem>>
    %dma_start3A_53 = tpu.memref_slice %arg3[%add3A_47] : memref<327680xi32, #tpu.memory_space<hbm>> -> memref<128xi32, #tpu.memory_space<hbm>>
    %dma_start3A_54 = arith.constant 0 : i32
    %dma_start3A_55 = tpu.memref_slice %arg7[%dma_start3A_48, %dma_start3A_49, %dma_start3A_54] : memref<4x2x128xi32, #tpu.memory_space<vmem>> -> memref<1x1x128xi32, #tpu.memory_space<vmem>>
    %dma_start3A_56 = tpu.memref_squeeze %dma_start3A_55 : memref<1x1x128xi32, #tpu.memory_space<vmem>> -> memref<128xi32, #tpu.memory_space<vmem>>
    %dma_start3A_57 = tpu.memref_slice %arg3[%add3A_47] : memref<327680xi32, #tpu.memory_space<hbm>> -> memref<128xi32, #tpu.memory_space<hbm>>
    tpu.enqueue_dma source(%dma_start3A_57 : memref<128xi32, #tpu.memory_space<hbm>>) target(%dma_start3A_56 : memref<128xi32, #tpu.memory_space<vmem>>) target_semaphore(%arg17 : memref<!tpu.dma_semaphore, #tpu.memory_space<semaphore_mem>>)
    %dma_start3A_58 = arith.constant 2 : i32
    %dma_start3A_59 = arith.constant 1 : i32
    %dma_start3A_60 = arith.constant 0 : i32
    %dma_start3A_61 = tpu.memref_slice %arg7[%dma_start3A_58, %dma_start3A_59, %dma_start3A_60] : memref<4x2x128xi32, #tpu.memory_space<vmem>> -> memref<1x1x128xi32, #tpu.memory_space<vmem>>
    %dma_start3A_62 = tpu.memref_squeeze %dma_start3A_61 : memref<1x1x128xi32, #tpu.memory_space<vmem>> -> memref<128xi32, #tpu.memory_space<vmem>>
    %dma_start3A_63 = tpu.memref_slice %arg4[%add3A_47] : memref<327680xi32, #tpu.memory_space<hbm>> -> memref<128xi32, #tpu.memory_space<hbm>>
    %dma_start3A_64 = arith.constant 0 : i32
    %dma_start3A_65 = tpu.memref_slice %arg7[%dma_start3A_58, %dma_start3A_59, %dma_start3A_64] : memref<4x2x128xi32, #tpu.memory_space<vmem>> -> memref<1x1x128xi32, #tpu.memory_space<vmem>>
    %dma_start3A_66 = tpu.memref_squeeze %dma_start3A_65 : memref<1x1x128xi32, #tpu.memory_space<vmem>> -> memref<128xi32, #tpu.memory_space<vmem>>
    %dma_start3A_67 = tpu.memref_slice %arg4[%add3A_47] : memref<327680xi32, #tpu.memory_space<hbm>> -> memref<128xi32, #tpu.memory_space<hbm>>
    tpu.enqueue_dma source(%dma_start3A_67 : memref<128xi32, #tpu.memory_space<hbm>>) target(%dma_start3A_66 : memref<128xi32, #tpu.memory_space<vmem>>) target_semaphore(%arg17 : memref<!tpu.dma_semaphore, #tpu.memory_space<semaphore_mem>>)
    %add3A_68 = arith.constant 384 : i32
    %add3A_69 = arith.addi %mul3A_2, %add3A_68 : i32
    %dma_start3A_70 = arith.constant 3 : i32
    %dma_start3A_71 = arith.constant 0 : i32
    %dma_start3A_72 = arith.constant 0 : i32
    %dma_start3A_73 = tpu.memref_slice %arg7[%dma_start3A_70, %dma_start3A_71, %dma_start3A_72] : memref<4x2x128xi32, #tpu.memory_space<vmem>> -> memref<1x1x128xi32, #tpu.memory_space<vmem>>
    %dma_start3A_74 = tpu.memref_squeeze %dma_start3A_73 : memref<1x1x128xi32, #tpu.memory_space<vmem>> -> memref<128xi32, #tpu.memory_space<vmem>>
    %dma_start3A_75 = tpu.memref_slice %arg3[%add3A_69] : memref<327680xi32, #tpu.memory_space<hbm>> -> memref<128xi32, #tpu.memory_space<hbm>>
    %dma_start3A_76 = arith.constant 0 : i32
    %dma_start3A_77 = tpu.memref_slice %arg7[%dma_start3A_70, %dma_start3A_71, %dma_start3A_76] : memref<4x2x128xi32, #tpu.memory_space<vmem>> -> memref<1x1x128xi32, #tpu.memory_space<vmem>>
    %dma_start3A_78 = tpu.memref_squeeze %dma_start3A_77 : memref<1x1x128xi32, #tpu.memory_space<vmem>> -> memref<128xi32, #tpu.memory_space<vmem>>
    %dma_start3A_79 = tpu.memref_slice %arg3[%add3A_69] : memref<327680xi32, #tpu.memory_space<hbm>> -> memref<128xi32, #tpu.memory_space<hbm>>
    tpu.enqueue_dma source(%dma_start3A_79 : memref<128xi32, #tpu.memory_space<hbm>>) target(%dma_start3A_78 : memref<128xi32, #tpu.memory_space<vmem>>) target_semaphore(%arg18 : memref<!tpu.dma_semaphore, #tpu.memory_space<semaphore_mem>>)
    %dma_start3A_80 = arith.constant 3 : i32
    %dma_start3A_81 = arith.constant 1 : i32
    %dma_start3A_82 = arith.constant 0 : i32
    %dma_start3A_83 = tpu.memref_slice %arg7[%dma_start3A_80, %dma_start3A_81, %dma_start3A_82] : memref<4x2x128xi32, #tpu.memory_space<vmem>> -> memref<1x1x128xi32, #tpu.memory_space<vmem>>
    %dma_start3A_84 = tpu.memref_squeeze %dma_start3A_83 : memref<1x1x128xi32, #tpu.memory_space<vmem>> -> memref<128xi32, #tpu.memory_space<vmem>>
    %dma_start3A_85 = tpu.memref_slice %arg4[%add3A_69] : memref<327680xi32, #tpu.memory_space<hbm>> -> memref<128xi32, #tpu.memory_space<hbm>>
    %dma_start3A_86 = arith.constant 0 : i32
    %dma_start3A_87 = tpu.memref_slice %arg7[%dma_start3A_80, %dma_start3A_81, %dma_start3A_86] : memref<4x2x128xi32, #tpu.memory_space<vmem>> -> memref<1x1x128xi32, #tpu.memory_space<vmem>>
    %dma_start3A_88 = tpu.memref_squeeze %dma_start3A_87 : memref<1x1x128xi32, #tpu.memory_space<vmem>> -> memref<128xi32, #tpu.memory_space<vmem>>
    %dma_start3A_89 = tpu.memref_slice %arg4[%add3A_69] : memref<327680xi32, #tpu.memory_space<hbm>> -> memref<128xi32, #tpu.memory_space<hbm>>
    tpu.enqueue_dma source(%dma_start3A_89 : memref<128xi32, #tpu.memory_space<hbm>>) target(%dma_start3A_88 : memref<128xi32, #tpu.memory_space<vmem>>) target_semaphore(%arg18 : memref<!tpu.dma_semaphore, #tpu.memory_space<semaphore_mem>>)
    %add3A_90 = arith.constant 0 : i32
    %add3A_91 = arith.addi %mul3A_2, %add3A_90 : i32
    %dma_wait3A = arith.constant 0 : i32
    %dma_wait3A_92 = arith.constant 0 : i32
    %dma_wait3A_93 = arith.constant 0 : i32
    %dma_wait3A_94 = tpu.memref_slice %arg7[%dma_wait3A, %dma_wait3A_92, %dma_wait3A_93] : memref<4x2x128xi32, #tpu.memory_space<vmem>> -> memref<1x1x128xi32, #tpu.memory_space<vmem>>
    %dma_wait3A_95 = tpu.memref_squeeze %dma_wait3A_94 : memref<1x1x128xi32, #tpu.memory_space<vmem>> -> memref<128xi32, #tpu.memory_space<vmem>>
    %dma_wait3A_96 = tpu.memref_slice %arg3[%add3A_91] : memref<327680xi32, #tpu.memory_space<hbm>> -> memref<128xi32, #tpu.memory_space<hbm>>
    %dma_wait3A_97 = arith.constant 0 : i32
    %dma_wait3A_98 = tpu.memref_slice %arg7[%dma_wait3A, %dma_wait3A_92, %dma_wait3A_97] : memref<4x2x128xi32, #tpu.memory_space<vmem>> -> memref<1x1x128xi32, #tpu.memory_space<vmem>>
    %dma_wait3A_99 = tpu.memref_squeeze %dma_wait3A_98 : memref<1x1x128xi32, #tpu.memory_space<vmem>> -> memref<128xi32, #tpu.memory_space<vmem>>
    %dma_wait3A_100 = tpu.memref_slice %arg3[%add3A_91] : memref<327680xi32, #tpu.memory_space<hbm>> -> memref<128xi32, #tpu.memory_space<hbm>>
    tpu.wait_dma2 semaphore(%arg15 : memref<!tpu.dma_semaphore, #tpu.memory_space<semaphore_mem>>) src(%dma_wait3A_100 : memref<128xi32, #tpu.memory_space<hbm>>) dst(%dma_wait3A_99 : memref<128xi32, #tpu.memory_space<vmem>>)
    %dma_wait3A_101 = arith.constant 0 : i32
    %dma_wait3A_102 = arith.constant 1 : i32
    %dma_wait3A_103 = arith.constant 0 : i32
    %dma_wait3A_104 = tpu.memref_slice %arg7[%dma_wait3A_101, %dma_wait3A_102, %dma_wait3A_103] : memref<4x2x128xi32, #tpu.memory_space<vmem>> -> memref<1x1x128xi32, #tpu.memory_space<vmem>>
    %dma_wait3A_105 = tpu.memref_squeeze %dma_wait3A_104 : memref<1x1x128xi32, #tpu.memory_space<vmem>> -> memref<128xi32, #tpu.memory_space<vmem>>
    %dma_wait3A_106 = tpu.memref_slice %arg4[%add3A_91] : memref<327680xi32, #tpu.memory_space<hbm>> -> memref<128xi32, #tpu.memory_space<hbm>>
    %dma_wait3A_107 = arith.constant 0 : i32
    %dma_wait3A_108 = tpu.memref_slice %arg7[%dma_wait3A_101, %dma_wait3A_102, %dma_wait3A_107] : memref<4x2x128xi32, #tpu.memory_space<vmem>> -> memref<1x1x128xi32, #tpu.memory_space<vmem>>
    %dma_wait3A_109 = tpu.memref_squeeze %dma_wait3A_108 : memref<1x1x128xi32, #tpu.memory_space<vmem>> -> memref<128xi32, #tpu.memory_space<vmem>>
    %dma_wait3A_110 = tpu.memref_slice %arg4[%add3A_91] : memref<327680xi32, #tpu.memory_space<hbm>> -> memref<128xi32, #tpu.memory_space<hbm>>
    tpu.wait_dma2 semaphore(%arg15 : memref<!tpu.dma_semaphore, #tpu.memory_space<semaphore_mem>>) src(%dma_wait3A_110 : memref<128xi32, #tpu.memory_space<hbm>>) dst(%dma_wait3A_109 : memref<128xi32, #tpu.memory_space<vmem>>)
    %dma_start3A_111 = arith.constant 0 : i32
    %dma_start3A_112 = arith.constant 0 : i32
    %dma_start3A_113 = arith.constant 0 : i32
    %dma_start3A_114 = tpu.memref_slice %arg7[%dma_start3A_111, %dma_start3A_112, %dma_start3A_113] : memref<4x2x128xi32, #tpu.memory_space<vmem>> -> memref<1x1x128xi32, #tpu.memory_space<vmem>>
    %dma_start3A_115 = tpu.memref_squeeze %dma_start3A_114 : memref<1x1x128xi32, #tpu.memory_space<vmem>> -> memref<128xi32, #tpu.memory_space<vmem>>
    %dma_start3A_116 = arith.constant 0 : i32
    %dma_start3A_117 = arith.constant 0 : i32
    %dma_start3A_118 = tpu.memref_slice %arg2[%dma_start3A_116, %dma_start3A_117] : memref<50560x128xf32, #tpu.memory_space<hbm>> -> memref<50560x128xf32, #tpu.memory_space<hbm>>
    tpu.enqueue_indirect_dma source(%dma_start3A_118 : memref<50560x128xf32, #tpu.memory_space<hbm>>) target(%arg8 : memref<128x128xf32, #tpu.memory_space<vmem>>) offsets(%dma_start3A_115 : memref<128xi32, #tpu.memory_space<vmem>>) semaphore(%arg11 : memref<!tpu.dma_semaphore, #tpu.memory_space<semaphore_mem>>)
    %mul3A_119 = arith.constant 632 : i32
    %mul3A_120 = arith.muli %arg1, %mul3A_119 : i32
    %eq3A = arith.constant 0 : i32
    %eq3A_121 = arith.cmpi eq, %arg0, %eq3A : i32
    %convert_element_type3A = arith.extui %eq3A_121 : i1 to i32
    %cond3A = arith.constant 0 : i32
    %cond3A_122 = arith.cmpi ne, %convert_element_type3A, %cond3A : i32
    scf.if %cond3A_122 {
      %mul3A_146 = arith.constant 632 : i32
      %mul3A_147 = arith.muli %arg1, %mul3A_146 : i32
      %add3A_148 = arith.constant 40448 : i32
      %add3A_149 = arith.addi %add3A_148, %mul3A_147 : i32
      "tpu.region"() ({
        %run_scoped3A = tpu.sem_alloc : memref<!tpu.dma_semaphore, #tpu.memory_space<semaphore_mem>>
        %dma_start3A_150 = arith.constant 0 : i32
        %dma_start3A_151 = tpu.memref_slice %arg10[%mul3A_120, %dma_start3A_150] : memref<10112x128xf32, #tpu.memory_space<vmem_shared>> -> memref<632x128xf32, #tpu.memory_space<vmem_shared>>
        %dma_start3A_152 = arith.constant 0 : i32
        %dma_start3A_153 = tpu.memref_slice %arg2[%add3A_149, %dma_start3A_152] : memref<50560x128xf32, #tpu.memory_space<hbm>> -> memref<632x128xf32, #tpu.memory_space<hbm>>
        tpu.enqueue_dma source(%dma_start3A_153 : memref<632x128xf32, #tpu.memory_space<hbm>>) target(%dma_start3A_151 : memref<632x128xf32, #tpu.memory_space<vmem_shared>>) target_semaphore(%run_scoped3A : memref<!tpu.dma_semaphore, #tpu.memory_space<semaphore_mem>>)
        %dma_wait3A_154 = arith.constant 0 : i32
        %dma_wait3A_155 = tpu.memref_slice %arg10[%mul3A_120, %dma_wait3A_154] : memref<10112x128xf32, #tpu.memory_space<vmem_shared>> -> memref<632x128xf32, #tpu.memory_space<vmem_shared>>
        %dma_wait3A_156 = arith.constant 0 : i32
        %dma_wait3A_157 = tpu.memref_slice %arg2[%add3A_149, %dma_wait3A_156] : memref<50560x128xf32, #tpu.memory_space<hbm>> -> memref<632x128xf32, #tpu.memory_space<hbm>>
        tpu.wait_dma2 semaphore(%run_scoped3A : memref<!tpu.dma_semaphore, #tpu.memory_space<semaphore_mem>>) src(%dma_wait3A_157 : memref<632x128xf32, #tpu.memory_space<hbm>>) dst(%dma_wait3A_155 : memref<632x128xf32, #tpu.memory_space<vmem_shared>>)
        tpu.yield
      }) : () -> ()
    } else {
    }
    %eq3A_123 = arith.constant 1 : i32
    %eq3A_124 = arith.cmpi eq, %arg0, %eq3A_123 : i32
    %convert_element_type3A_125 = arith.extui %eq3A_124 : i1 to i32
    %cond3A_126 = arith.constant 0 : i32
    %cond3A_127 = arith.cmpi ne, %convert_element_type3A_125, %cond3A_126 : i32
    scf.if %cond3A_127 {
      "tpu.region"() ({
        %run_scoped3A = tpu.sem_alloc : memref<!tpu.dma_semaphore, #tpu.memory_space<semaphore_mem>>
        %dma_start3A_146 = arith.constant 0 : i32
        %dma_start3A_147 = tpu.memref_slice %arg10[%mul3A_120, %dma_start3A_146] : memref<10112x128xf32, #tpu.memory_space<vmem_shared>> -> memref<632x128xf32, #tpu.memory_space<vmem_shared>>
        tpu.enqueue_dma source(%arg5 : memref<632x128xf32, #tpu.memory_space<hbm>>) target(%dma_start3A_147 : memref<632x128xf32, #tpu.memory_space<vmem_shared>>) target_semaphore(%run_scoped3A : memref<!tpu.dma_semaphore, #tpu.memory_space<semaphore_mem>>)
        %dma_wait3A_148 = arith.constant 0 : i32
        %dma_wait3A_149 = tpu.memref_slice %arg10[%mul3A_120, %dma_wait3A_148] : memref<10112x128xf32, #tpu.memory_space<vmem_shared>> -> memref<632x128xf32, #tpu.memory_space<vmem_shared>>
        tpu.wait_dma2 semaphore(%run_scoped3A : memref<!tpu.dma_semaphore, #tpu.memory_space<semaphore_mem>>) src(%arg5 : memref<632x128xf32, #tpu.memory_space<hbm>>) dst(%dma_wait3A_149 : memref<632x128xf32, #tpu.memory_space<vmem_shared>>)
        tpu.yield
      }) : () -> ()
    } else {
    }
    %barrier3A = arith.constant 0 : index
    tpu.barrier barrier_id(%barrier3A)
    %scan3A = arith.constant 0 : i32
    %scan3A_128 = arith.constant 0 : i32
    %scan3A_129 = arith.constant 20 : i32
    %scan3A_130 = arith.addi %scan3A_128, %scan3A_129 : i32
    %scan3A_131 = arith.constant 1 : i32
    scf.for %scan3A_146 = %scan3A_128 to %scan3A_130 step %scan3A_131  : i32 {
      %mul3A_147 = arith.constant 4 : i32
      %mul3A_148 = arith.muli %mul3A_147, %scan3A_146 : i32
      %add3A_149 = arith.constant 0 : i32
      %add3A_150 = arith.addi %mul3A_148, %add3A_149 : i32
      %dma_wait3A_151 = arith.constant 0 : i32
      %dma_wait3A_152 = arith.constant 0 : i32
      %dma_wait3A_153 = arith.constant 0 : i32
      %dma_wait3A_154 = tpu.memref_slice %arg7[%dma_wait3A_151, %dma_wait3A_152, %dma_wait3A_153] : memref<4x2x128xi32, #tpu.memory_space<vmem>> -> memref<1x1x128xi32, #tpu.memory_space<vmem>>
      %dma_wait3A_155 = tpu.memref_squeeze %dma_wait3A_154 : memref<1x1x128xi32, #tpu.memory_space<vmem>> -> memref<128xi32, #tpu.memory_space<vmem>>
      %dma_wait3A_156 = arith.constant 0 : i32
      %dma_wait3A_157 = arith.constant 0 : i32
      %dma_wait3A_158 = tpu.memref_slice %arg2[%dma_wait3A_156, %dma_wait3A_157] : memref<50560x128xf32, #tpu.memory_space<hbm>> -> memref<50560x128xf32, #tpu.memory_space<hbm>>
      tpu.wait_indirect_dma semaphore(%arg11 : memref<!tpu.dma_semaphore, #tpu.memory_space<semaphore_mem>>) src(%dma_wait3A_158 : memref<50560x128xf32, #tpu.memory_space<hbm>>) dst(%arg8 : memref<128x128xf32, #tpu.memory_space<vmem>>)
      %dma_start3A_159 = arith.constant 0 : i32
      %dma_start3A_160 = arith.constant 1 : i32
      %dma_start3A_161 = arith.constant 0 : i32
      %dma_start3A_162 = tpu.memref_slice %arg7[%dma_start3A_159, %dma_start3A_160, %dma_start3A_161] : memref<4x2x128xi32, #tpu.memory_space<vmem>> -> memref<1x1x128xi32, #tpu.memory_space<vmem>>
      %dma_start3A_163 = tpu.memref_squeeze %dma_start3A_162 : memref<1x1x128xi32, #tpu.memory_space<vmem>> -> memref<128xi32, #tpu.memory_space<vmem>>
      %dma_start3A_164 = arith.constant 0 : i32
      %dma_start3A_165 = arith.constant 0 : i32
      %dma_start3A_166 = tpu.memref_slice %arg10[%dma_start3A_164, %dma_start3A_165] : memref<10112x128xf32, #tpu.memory_space<vmem_shared>> -> memref<10112x128xf32, #tpu.memory_space<vmem_shared>>
      tpu.enqueue_indirect_dma source(%arg8 : memref<128x128xf32, #tpu.memory_space<vmem>>) target(%dma_start3A_166 : memref<10112x128xf32, #tpu.memory_space<vmem_shared>>) offsets(%dma_start3A_163 : memref<128xi32, #tpu.memory_space<vmem>>) semaphore(%arg13 : memref<!tpu.dma_semaphore, #tpu.memory_space<semaphore_mem>>) {add = true}
      %gt3A = arith.constant 0 : i32
      %gt3A_167 = arith.cmpi sgt, %add3A_150, %gt3A : i32
      %convert_element_type3A_168 = arith.extui %gt3A_167 : i1 to i32
      %cond3A_169 = arith.constant 0 : i32
      %cond3A_170 = arith.cmpi ne, %convert_element_type3A_168, %cond3A_169 : i32
      scf.if %cond3A_170 {
        %dma_wait3A_312 = arith.constant 3 : i32
        %dma_wait3A_313 = arith.constant 1 : i32
        %dma_wait3A_314 = arith.constant 0 : i32
        %dma_wait3A_315 = tpu.memref_slice %arg7[%dma_wait3A_312, %dma_wait3A_313, %dma_wait3A_314] : memref<4x2x128xi32, #tpu.memory_space<vmem>> -> memref<1x1x128xi32, #tpu.memory_space<vmem>>
        %dma_wait3A_316 = tpu.memref_squeeze %dma_wait3A_315 : memref<1x1x128xi32, #tpu.memory_space<vmem>> -> memref<128xi32, #tpu.memory_space<vmem>>
        %dma_wait3A_317 = arith.constant 0 : i32
        %dma_wait3A_318 = arith.constant 0 : i32
        %dma_wait3A_319 = tpu.memref_slice %arg10[%dma_wait3A_317, %dma_wait3A_318] : memref<10112x128xf32, #tpu.memory_space<vmem_shared>> -> memref<10112x128xf32, #tpu.memory_space<vmem_shared>>
        tpu.wait_indirect_dma semaphore(%arg14 : memref<!tpu.dma_semaphore, #tpu.memory_space<semaphore_mem>>) src(%arg9 : memref<128x128xf32, #tpu.memory_space<vmem>>) dst(%dma_wait3A_319 : memref<10112x128xf32, #tpu.memory_space<vmem_shared>>)
      } else {
      }
      %gt3A_171 = arith.constant 0 : i32
      %gt3A_172 = arith.cmpi sgt, %add3A_150, %gt3A_171 : i32
      %add3A_173 = arith.constant 3 : i32
      %add3A_174 = arith.addi %add3A_150, %add3A_173 : i32
      %lt3A = arith.constant 80 : i32
      %lt3A_175 = arith.cmpi slt, %add3A_174, %lt3A : i32
      %and3A = arith.andi %gt3A_172, %lt3A_175 : i1
      %convert_element_type3A_176 = arith.extui %and3A : i1 to i32
      %cond3A_177 = arith.constant 0 : i32
      %cond3A_178 = arith.cmpi ne, %convert_element_type3A_176, %cond3A_177 : i32
      scf.if %cond3A_178 {
        %add3A_312 = arith.constant 3 : i32
        %add3A_313 = arith.addi %add3A_150, %add3A_312 : i32
        %mul3A_314 = arith.constant 128 : i32
        %mul3A_315 = arith.muli %add3A_313, %mul3A_314 : i32
        %add3A_316 = arith.addi %mul3A_2, %mul3A_315 : i32
        %dma_start3A_317 = arith.constant 3 : i32
        %dma_start3A_318 = arith.constant 0 : i32
        %dma_start3A_319 = arith.constant 0 : i32
        %dma_start3A_320 = tpu.memref_slice %arg7[%dma_start3A_317, %dma_start3A_318, %dma_start3A_319] : memref<4x2x128xi32, #tpu.memory_space<vmem>> -> memref<1x1x128xi32, #tpu.memory_space<vmem>>
        %dma_start3A_321 = tpu.memref_squeeze %dma_start3A_320 : memref<1x1x128xi32, #tpu.memory_space<vmem>> -> memref<128xi32, #tpu.memory_space<vmem>>
        %dma_start3A_322 = tpu.memref_slice %arg3[%add3A_316] : memref<327680xi32, #tpu.memory_space<hbm>> -> memref<128xi32, #tpu.memory_space<hbm>>
        %dma_start3A_323 = arith.constant 0 : i32
        %dma_start3A_324 = tpu.memref_slice %arg7[%dma_start3A_317, %dma_start3A_318, %dma_start3A_323] : memref<4x2x128xi32, #tpu.memory_space<vmem>> -> memref<1x1x128xi32, #tpu.memory_space<vmem>>
        %dma_start3A_325 = tpu.memref_squeeze %dma_start3A_324 : memref<1x1x128xi32, #tpu.memory_space<vmem>> -> memref<128xi32, #tpu.memory_space<vmem>>
        %dma_start3A_326 = tpu.memref_slice %arg3[%add3A_316] : memref<327680xi32, #tpu.memory_space<hbm>> -> memref<128xi32, #tpu.memory_space<hbm>>
        tpu.enqueue_dma source(%dma_start3A_326 : memref<128xi32, #tpu.memory_space<hbm>>) target(%dma_start3A_325 : memref<128xi32, #tpu.memory_space<vmem>>) target_semaphore(%arg18 : memref<!tpu.dma_semaphore, #tpu.memory_space<semaphore_mem>>)
        %dma_start3A_327 = arith.constant 3 : i32
        %dma_start3A_328 = arith.constant 1 : i32
        %dma_start3A_329 = arith.constant 0 : i32
        %dma_start3A_330 = tpu.memref_slice %arg7[%dma_start3A_327, %dma_start3A_328, %dma_start3A_329] : memref<4x2x128xi32, #tpu.memory_space<vmem>> -> memref<1x1x128xi32, #tpu.memory_space<vmem>>
        %dma_start3A_331 = tpu.memref_squeeze %dma_start3A_330 : memref<1x1x128xi32, #tpu.memory_space<vmem>> -> memref<128xi32, #tpu.memory_space<vmem>>
        %dma_start3A_332 = tpu.memref_slice %arg4[%add3A_316] : memref<327680xi32, #tpu.memory_space<hbm>> -> memref<128xi32, #tpu.memory_space<hbm>>
        %dma_start3A_333 = arith.constant 0 : i32
        %dma_start3A_334 = tpu.memref_slice %arg7[%dma_start3A_327, %dma_start3A_328, %dma_start3A_333] : memref<4x2x128xi32, #tpu.memory_space<vmem>> -> memref<1x1x128xi32, #tpu.memory_space<vmem>>
        %dma_start3A_335 = tpu.memref_squeeze %dma_start3A_334 : memref<1x1x128xi32, #tpu.memory_space<vmem>> -> memref<128xi32, #tpu.memory_space<vmem>>
        %dma_start3A_336 = tpu.memref_slice %arg4[%add3A_316] : memref<327680xi32, #tpu.memory_space<hbm>> -> memref<128xi32, #tpu.memory_space<hbm>>
        tpu.enqueue_dma source(%dma_start3A_336 : memref<128xi32, #tpu.memory_space<hbm>>) target(%dma_start3A_335 : memref<128xi32, #tpu.memory_space<vmem>>) target_semaphore(%arg18 : memref<!tpu.dma_semaphore, #tpu.memory_space<semaphore_mem>>)
      } else {
      }
      %add3A_179 = arith.constant 1 : i32
      %add3A_180 = arith.addi %add3A_150, %add3A_179 : i32
      %lt3A_181 = arith.constant 80 : i32
      %lt3A_182 = arith.cmpi slt, %add3A_180, %lt3A_181 : i32
      %convert_element_type3A_183 = arith.extui %lt3A_182 : i1 to i32
      %cond3A_184 = arith.constant 0 : i32
      %cond3A_185 = arith.cmpi ne, %convert_element_type3A_183, %cond3A_184 : i32
      scf.if %cond3A_185 {
        %add3A_312 = arith.constant 1 : i32
        %add3A_313 = arith.addi %add3A_150, %add3A_312 : i32
        %mul3A_314 = arith.constant 128 : i32
        %mul3A_315 = arith.muli %add3A_313, %mul3A_314 : i32
        %add3A_316 = arith.addi %mul3A_2, %mul3A_315 : i32
        %dma_wait3A_317 = arith.constant 1 : i32
        %dma_wait3A_318 = arith.constant 0 : i32
        %dma_wait3A_319 = arith.constant 0 : i32
        %dma_wait3A_320 = tpu.memref_slice %arg7[%dma_wait3A_317, %dma_wait3A_318, %dma_wait3A_319] : memref<4x2x128xi32, #tpu.memory_space<vmem>> -> memref<1x1x128xi32, #tpu.memory_space<vmem>>
        %dma_wait3A_321 = tpu.memref_squeeze %dma_wait3A_320 : memref<1x1x128xi32, #tpu.memory_space<vmem>> -> memref<128xi32, #tpu.memory_space<vmem>>
        %dma_wait3A_322 = tpu.memref_slice %arg3[%add3A_316] : memref<327680xi32, #tpu.memory_space<hbm>> -> memref<128xi32, #tpu.memory_space<hbm>>
        %dma_wait3A_323 = arith.constant 0 : i32
        %dma_wait3A_324 = tpu.memref_slice %arg7[%dma_wait3A_317, %dma_wait3A_318, %dma_wait3A_323] : memref<4x2x128xi32, #tpu.memory_space<vmem>> -> memref<1x1x128xi32, #tpu.memory_space<vmem>>
        %dma_wait3A_325 = tpu.memref_squeeze %dma_wait3A_324 : memref<1x1x128xi32, #tpu.memory_space<vmem>> -> memref<128xi32, #tpu.memory_space<vmem>>
        %dma_wait3A_326 = tpu.memref_slice %arg3[%add3A_316] : memref<327680xi32, #tpu.memory_space<hbm>> -> memref<128xi32, #tpu.memory_space<hbm>>
        tpu.wait_dma2 semaphore(%arg16 : memref<!tpu.dma_semaphore, #tpu.memory_space<semaphore_mem>>) src(%dma_wait3A_326 : memref<128xi32, #tpu.memory_space<hbm>>) dst(%dma_wait3A_325 : memref<128xi32, #tpu.memory_space<vmem>>)
        %dma_wait3A_327 = arith.constant 1 : i32
        %dma_wait3A_328 = arith.constant 1 : i32
        %dma_wait3A_329 = arith.constant 0 : i32
        %dma_wait3A_330 = tpu.memref_slice %arg7[%dma_wait3A_327, %dma_wait3A_328, %dma_wait3A_329] : memref<4x2x128xi32, #tpu.memory_space<vmem>> -> memref<1x1x128xi32, #tpu.memory_space<vmem>>
        %dma_wait3A_331 = tpu.memref_squeeze %dma_wait3A_330 : memref<1x1x128xi32, #tpu.memory_space<vmem>> -> memref<128xi32, #tpu.memory_space<vmem>>
        %dma_wait3A_332 = tpu.memref_slice %arg4[%add3A_316] : memref<327680xi32, #tpu.memory_space<hbm>> -> memref<128xi32, #tpu.memory_space<hbm>>
        %dma_wait3A_333 = arith.constant 0 : i32
        %dma_wait3A_334 = tpu.memref_slice %arg7[%dma_wait3A_327, %dma_wait3A_328, %dma_wait3A_333] : memref<4x2x128xi32, #tpu.memory_space<vmem>> -> memref<1x1x128xi32, #tpu.memory_space<vmem>>
        %dma_wait3A_335 = tpu.memref_squeeze %dma_wait3A_334 : memref<1x1x128xi32, #tpu.memory_space<vmem>> -> memref<128xi32, #tpu.memory_space<vmem>>
        %dma_wait3A_336 = tpu.memref_slice %arg4[%add3A_316] : memref<327680xi32, #tpu.memory_space<hbm>> -> memref<128xi32, #tpu.memory_space<hbm>>
        tpu.wait_dma2 semaphore(%arg16 : memref<!tpu.dma_semaphore, #tpu.memory_space<semaphore_mem>>) src(%dma_wait3A_336 : memref<128xi32, #tpu.memory_space<hbm>>) dst(%dma_wait3A_335 : memref<128xi32, #tpu.memory_space<vmem>>)
        %dma_start3A_337 = arith.constant 1 : i32
        %dma_start3A_338 = arith.constant 0 : i32
        %dma_start3A_339 = arith.constant 0 : i32
        %dma_start3A_340 = tpu.memref_slice %arg7[%dma_start3A_337, %dma_start3A_338, %dma_start3A_339] : memref<4x2x128xi32, #tpu.memory_space<vmem>> -> memref<1x1x128xi32, #tpu.memory_space<vmem>>
        %dma_start3A_341 = tpu.memref_squeeze %dma_start3A_340 : memref<1x1x128xi32, #tpu.memory_space<vmem>> -> memref<128xi32, #tpu.memory_space<vmem>>
        %dma_start3A_342 = arith.constant 0 : i32
        %dma_start3A_343 = arith.constant 0 : i32
        %dma_start3A_344 = tpu.memref_slice %arg2[%dma_start3A_342, %dma_start3A_343] : memref<50560x128xf32, #tpu.memory_space<hbm>> -> memref<50560x128xf32, #tpu.memory_space<hbm>>
        tpu.enqueue_indirect_dma source(%dma_start3A_344 : memref<50560x128xf32, #tpu.memory_space<hbm>>) target(%arg9 : memref<128x128xf32, #tpu.memory_space<vmem>>) offsets(%dma_start3A_341 : memref<128xi32, #tpu.memory_space<vmem>>) semaphore(%arg12 : memref<!tpu.dma_semaphore, #tpu.memory_space<semaphore_mem>>)
      } else {
      }
      %mul3A_186 = arith.constant 4 : i32
      %mul3A_187 = arith.muli %mul3A_186, %scan3A_146 : i32
      %add3A_188 = arith.constant 1 : i32
      %add3A_189 = arith.addi %mul3A_187, %add3A_188 : i32
      %dma_wait3A_190 = arith.constant 1 : i32
      %dma_wait3A_191 = arith.constant 0 : i32
      %dma_wait3A_192 = arith.constant 0 : i32
      %dma_wait3A_193 = tpu.memref_slice %arg7[%dma_wait3A_190, %dma_wait3A_191, %dma_wait3A_192] : memref<4x2x128xi32, #tpu.memory_space<vmem>> -> memref<1x1x128xi32, #tpu.memory_space<vmem>>
      %dma_wait3A_194 = tpu.memref_squeeze %dma_wait3A_193 : memref<1x1x128xi32, #tpu.memory_space<vmem>> -> memref<128xi32, #tpu.memory_space<vmem>>
      %dma_wait3A_195 = arith.constant 0 : i32
      %dma_wait3A_196 = arith.constant 0 : i32
      %dma_wait3A_197 = tpu.memref_slice %arg2[%dma_wait3A_195, %dma_wait3A_196] : memref<50560x128xf32, #tpu.memory_space<hbm>> -> memref<50560x128xf32, #tpu.memory_space<hbm>>
      tpu.wait_indirect_dma semaphore(%arg12 : memref<!tpu.dma_semaphore, #tpu.memory_space<semaphore_mem>>) src(%dma_wait3A_197 : memref<50560x128xf32, #tpu.memory_space<hbm>>) dst(%arg9 : memref<128x128xf32, #tpu.memory_space<vmem>>)
      %dma_start3A_198 = arith.constant 1 : i32
      %dma_start3A_199 = arith.constant 1 : i32
      %dma_start3A_200 = arith.constant 0 : i32
      %dma_start3A_201 = tpu.memref_slice %arg7[%dma_start3A_198, %dma_start3A_199, %dma_start3A_200] : memref<4x2x128xi32, #tpu.memory_space<vmem>> -> memref<1x1x128xi32, #tpu.memory_space<vmem>>
      %dma_start3A_202 = tpu.memref_squeeze %dma_start3A_201 : memref<1x1x128xi32, #tpu.memory_space<vmem>> -> memref<128xi32, #tpu.memory_space<vmem>>
      %dma_start3A_203 = arith.constant 0 : i32
      %dma_start3A_204 = arith.constant 0 : i32
      %dma_start3A_205 = tpu.memref_slice %arg10[%dma_start3A_203, %dma_start3A_204] : memref<10112x128xf32, #tpu.memory_space<vmem_shared>> -> memref<10112x128xf32, #tpu.memory_space<vmem_shared>>
      tpu.enqueue_indirect_dma source(%arg9 : memref<128x128xf32, #tpu.memory_space<vmem>>) target(%dma_start3A_205 : memref<10112x128xf32, #tpu.memory_space<vmem_shared>>) offsets(%dma_start3A_202 : memref<128xi32, #tpu.memory_space<vmem>>) semaphore(%arg14 : memref<!tpu.dma_semaphore, #tpu.memory_space<semaphore_mem>>) {add = true}
      %gt3A_206 = arith.constant 0 : i32
      %gt3A_207 = arith.cmpi sgt, %add3A_189, %gt3A_206 : i32
      %convert_element_type3A_208 = arith.extui %gt3A_207 : i1 to i32
      %cond3A_209 = arith.constant 0 : i32
      %cond3A_210 = arith.cmpi ne, %convert_element_type3A_208, %cond3A_209 : i32
      scf.if %cond3A_210 {
        %dma_wait3A_312 = arith.constant 0 : i32
        %dma_wait3A_313 = arith.constant 1 : i32
        %dma_wait3A_314 = arith.constant 0 : i32
        %dma_wait3A_315 = tpu.memref_slice %arg7[%dma_wait3A_312, %dma_wait3A_313, %dma_wait3A_314] : memref<4x2x128xi32, #tpu.memory_space<vmem>> -> memref<1x1x128xi32, #tpu.memory_space<vmem>>
        %dma_wait3A_316 = tpu.memref_squeeze %dma_wait3A_315 : memref<1x1x128xi32, #tpu.memory_space<vmem>> -> memref<128xi32, #tpu.memory_space<vmem>>
        %dma_wait3A_317 = arith.constant 0 : i32
        %dma_wait3A_318 = arith.constant 0 : i32
        %dma_wait3A_319 = tpu.memref_slice %arg10[%dma_wait3A_317, %dma_wait3A_318] : memref<10112x128xf32, #tpu.memory_space<vmem_shared>> -> memref<10112x128xf32, #tpu.memory_space<vmem_shared>>
        tpu.wait_indirect_dma semaphore(%arg13 : memref<!tpu.dma_semaphore, #tpu.memory_space<semaphore_mem>>) src(%arg8 : memref<128x128xf32, #tpu.memory_space<vmem>>) dst(%dma_wait3A_319 : memref<10112x128xf32, #tpu.memory_space<vmem_shared>>)
      } else {
      }
      %gt3A_211 = arith.constant 0 : i32
      %gt3A_212 = arith.cmpi sgt, %add3A_189, %gt3A_211 : i32
      %add3A_213 = arith.constant 3 : i32
      %add3A_214 = arith.addi %add3A_189, %add3A_213 : i32
      %lt3A_215 = arith.constant 80 : i32
      %lt3A_216 = arith.cmpi slt, %add3A_214, %lt3A_215 : i32
      %and3A_217 = arith.andi %gt3A_212, %lt3A_216 : i1
      %convert_element_type3A_218 = arith.extui %and3A_217 : i1 to i32
      %cond3A_219 = arith.constant 0 : i32
      %cond3A_220 = arith.cmpi ne, %convert_element_type3A_218, %cond3A_219 : i32
      scf.if %cond3A_220 {
        %add3A_312 = arith.constant 3 : i32
        %add3A_313 = arith.addi %add3A_189, %add3A_312 : i32
        %mul3A_314 = arith.constant 128 : i32
        %mul3A_315 = arith.muli %add3A_313, %mul3A_314 : i32
        %add3A_316 = arith.addi %mul3A_2, %mul3A_315 : i32
        %dma_start3A_317 = arith.constant 0 : i32
        %dma_start3A_318 = arith.constant 0 : i32
        %dma_start3A_319 = arith.constant 0 : i32
        %dma_start3A_320 = tpu.memref_slice %arg7[%dma_start3A_317, %dma_start3A_318, %dma_start3A_319] : memref<4x2x128xi32, #tpu.memory_space<vmem>> -> memref<1x1x128xi32, #tpu.memory_space<vmem>>
        %dma_start3A_321 = tpu.memref_squeeze %dma_start3A_320 : memref<1x1x128xi32, #tpu.memory_space<vmem>> -> memref<128xi32, #tpu.memory_space<vmem>>
        %dma_start3A_322 = tpu.memref_slice %arg3[%add3A_316] : memref<327680xi32, #tpu.memory_space<hbm>> -> memref<128xi32, #tpu.memory_space<hbm>>
        %dma_start3A_323 = arith.constant 0 : i32
        %dma_start3A_324 = tpu.memref_slice %arg7[%dma_start3A_317, %dma_start3A_318, %dma_start3A_323] : memref<4x2x128xi32, #tpu.memory_space<vmem>> -> memref<1x1x128xi32, #tpu.memory_space<vmem>>
        %dma_start3A_325 = tpu.memref_squeeze %dma_start3A_324 : memref<1x1x128xi32, #tpu.memory_space<vmem>> -> memref<128xi32, #tpu.memory_space<vmem>>
        %dma_start3A_326 = tpu.memref_slice %arg3[%add3A_316] : memref<327680xi32, #tpu.memory_space<hbm>> -> memref<128xi32, #tpu.memory_space<hbm>>
        tpu.enqueue_dma source(%dma_start3A_326 : memref<128xi32, #tpu.memory_space<hbm>>) target(%dma_start3A_325 : memref<128xi32, #tpu.memory_space<vmem>>) target_semaphore(%arg15 : memref<!tpu.dma_semaphore, #tpu.memory_space<semaphore_mem>>)
        %dma_start3A_327 = arith.constant 0 : i32
        %dma_start3A_328 = arith.constant 1 : i32
        %dma_start3A_329 = arith.constant 0 : i32
        %dma_start3A_330 = tpu.memref_slice %arg7[%dma_start3A_327, %dma_start3A_328, %dma_start3A_329] : memref<4x2x128xi32, #tpu.memory_space<vmem>> -> memref<1x1x128xi32, #tpu.memory_space<vmem>>
        %dma_start3A_331 = tpu.memref_squeeze %dma_start3A_330 : memref<1x1x128xi32, #tpu.memory_space<vmem>> -> memref<128xi32, #tpu.memory_space<vmem>>
        %dma_start3A_332 = tpu.memref_slice %arg4[%add3A_316] : memref<327680xi32, #tpu.memory_space<hbm>> -> memref<128xi32, #tpu.memory_space<hbm>>
        %dma_start3A_333 = arith.constant 0 : i32
        %dma_start3A_334 = tpu.memref_slice %arg7[%dma_start3A_327, %dma_start3A_328, %dma_start3A_333] : memref<4x2x128xi32, #tpu.memory_space<vmem>> -> memref<1x1x128xi32, #tpu.memory_space<vmem>>
        %dma_start3A_335 = tpu.memref_squeeze %dma_start3A_334 : memref<1x1x128xi32, #tpu.memory_space<vmem>> -> memref<128xi32, #tpu.memory_space<vmem>>
        %dma_start3A_336 = tpu.memref_slice %arg4[%add3A_316] : memref<327680xi32, #tpu.memory_space<hbm>> -> memref<128xi32, #tpu.memory_space<hbm>>
        tpu.enqueue_dma source(%dma_start3A_336 : memref<128xi32, #tpu.memory_space<hbm>>) target(%dma_start3A_335 : memref<128xi32, #tpu.memory_space<vmem>>) target_semaphore(%arg15 : memref<!tpu.dma_semaphore, #tpu.memory_space<semaphore_mem>>)
      } else {
      }
      %add3A_221 = arith.constant 1 : i32
      %add3A_222 = arith.addi %add3A_189, %add3A_221 : i32
      %lt3A_223 = arith.constant 80 : i32
      %lt3A_224 = arith.cmpi slt, %add3A_222, %lt3A_223 : i32
      %convert_element_type3A_225 = arith.extui %lt3A_224 : i1 to i32
      %cond3A_226 = arith.constant 0 : i32
      %cond3A_227 = arith.cmpi ne, %convert_element_type3A_225, %cond3A_226 : i32
      scf.if %cond3A_227 {
        %add3A_312 = arith.constant 1 : i32
        %add3A_313 = arith.addi %add3A_189, %add3A_312 : i32
        %mul3A_314 = arith.constant 128 : i32
        %mul3A_315 = arith.muli %add3A_313, %mul3A_314 : i32
        %add3A_316 = arith.addi %mul3A_2, %mul3A_315 : i32
        %dma_wait3A_317 = arith.constant 2 : i32
        %dma_wait3A_318 = arith.constant 0 : i32
        %dma_wait3A_319 = arith.constant 0 : i32
        %dma_wait3A_320 = tpu.memref_slice %arg7[%dma_wait3A_317, %dma_wait3A_318, %dma_wait3A_319] : memref<4x2x128xi32, #tpu.memory_space<vmem>> -> memref<1x1x128xi32, #tpu.memory_space<vmem>>
        %dma_wait3A_321 = tpu.memref_squeeze %dma_wait3A_320 : memref<1x1x128xi32, #tpu.memory_space<vmem>> -> memref<128xi32, #tpu.memory_space<vmem>>
        %dma_wait3A_322 = tpu.memref_slice %arg3[%add3A_316] : memref<327680xi32, #tpu.memory_space<hbm>> -> memref<128xi32, #tpu.memory_space<hbm>>
        %dma_wait3A_323 = arith.constant 0 : i32
        %dma_wait3A_324 = tpu.memref_slice %arg7[%dma_wait3A_317, %dma_wait3A_318, %dma_wait3A_323] : memref<4x2x128xi32, #tpu.memory_space<vmem>> -> memref<1x1x128xi32, #tpu.memory_space<vmem>>
        %dma_wait3A_325 = tpu.memref_squeeze %dma_wait3A_324 : memref<1x1x128xi32, #tpu.memory_space<vmem>> -> memref<128xi32, #tpu.memory_space<vmem>>
        %dma_wait3A_326 = tpu.memref_slice %arg3[%add3A_316] : memref<327680xi32, #tpu.memory_space<hbm>> -> memref<128xi32, #tpu.memory_space<hbm>>
        tpu.wait_dma2 semaphore(%arg17 : memref<!tpu.dma_semaphore, #tpu.memory_space<semaphore_mem>>) src(%dma_wait3A_326 : memref<128xi32, #tpu.memory_space<hbm>>) dst(%dma_wait3A_325 : memref<128xi32, #tpu.memory_space<vmem>>)
        %dma_wait3A_327 = arith.constant 2 : i32
        %dma_wait3A_328 = arith.constant 1 : i32
        %dma_wait3A_329 = arith.constant 0 : i32
        %dma_wait3A_330 = tpu.memref_slice %arg7[%dma_wait3A_327, %dma_wait3A_328, %dma_wait3A_329] : memref<4x2x128xi32, #tpu.memory_space<vmem>> -> memref<1x1x128xi32, #tpu.memory_space<vmem>>
        %dma_wait3A_331 = tpu.memref_squeeze %dma_wait3A_330 : memref<1x1x128xi32, #tpu.memory_space<vmem>> -> memref<128xi32, #tpu.memory_space<vmem>>
        %dma_wait3A_332 = tpu.memref_slice %arg4[%add3A_316] : memref<327680xi32, #tpu.memory_space<hbm>> -> memref<128xi32, #tpu.memory_space<hbm>>
        %dma_wait3A_333 = arith.constant 0 : i32
        %dma_wait3A_334 = tpu.memref_slice %arg7[%dma_wait3A_327, %dma_wait3A_328, %dma_wait3A_333] : memref<4x2x128xi32, #tpu.memory_space<vmem>> -> memref<1x1x128xi32, #tpu.memory_space<vmem>>
        %dma_wait3A_335 = tpu.memref_squeeze %dma_wait3A_334 : memref<1x1x128xi32, #tpu.memory_space<vmem>> -> memref<128xi32, #tpu.memory_space<vmem>>
        %dma_wait3A_336 = tpu.memref_slice %arg4[%add3A_316] : memref<327680xi32, #tpu.memory_space<hbm>> -> memref<128xi32, #tpu.memory_space<hbm>>
        tpu.wait_dma2 semaphore(%arg17 : memref<!tpu.dma_semaphore, #tpu.memory_space<semaphore_mem>>) src(%dma_wait3A_336 : memref<128xi32, #tpu.memory_space<hbm>>) dst(%dma_wait3A_335 : memref<128xi32, #tpu.memory_space<vmem>>)
        %dma_start3A_337 = arith.constant 2 : i32
        %dma_start3A_338 = arith.constant 0 : i32
        %dma_start3A_339 = arith.constant 0 : i32
        %dma_start3A_340 = tpu.memref_slice %arg7[%dma_start3A_337, %dma_start3A_338, %dma_start3A_339] : memref<4x2x128xi32, #tpu.memory_space<vmem>> -> memref<1x1x128xi32, #tpu.memory_space<vmem>>
        %dma_start3A_341 = tpu.memref_squeeze %dma_start3A_340 : memref<1x1x128xi32, #tpu.memory_space<vmem>> -> memref<128xi32, #tpu.memory_space<vmem>>
        %dma_start3A_342 = arith.constant 0 : i32
        %dma_start3A_343 = arith.constant 0 : i32
        %dma_start3A_344 = tpu.memref_slice %arg2[%dma_start3A_342, %dma_start3A_343] : memref<50560x128xf32, #tpu.memory_space<hbm>> -> memref<50560x128xf32, #tpu.memory_space<hbm>>
        tpu.enqueue_indirect_dma source(%dma_start3A_344 : memref<50560x128xf32, #tpu.memory_space<hbm>>) target(%arg8 : memref<128x128xf32, #tpu.memory_space<vmem>>) offsets(%dma_start3A_341 : memref<128xi32, #tpu.memory_space<vmem>>) semaphore(%arg11 : memref<!tpu.dma_semaphore, #tpu.memory_space<semaphore_mem>>)
      } else {
      }
      %mul3A_228 = arith.constant 4 : i32
      %mul3A_229 = arith.muli %mul3A_228, %scan3A_146 : i32
      %add3A_230 = arith.constant 2 : i32
      %add3A_231 = arith.addi %mul3A_229, %add3A_230 : i32
      %dma_wait3A_232 = arith.constant 2 : i32
      %dma_wait3A_233 = arith.constant 0 : i32
      %dma_wait3A_234 = arith.constant 0 : i32
      %dma_wait3A_235 = tpu.memref_slice %arg7[%dma_wait3A_232, %dma_wait3A_233, %dma_wait3A_234] : memref<4x2x128xi32, #tpu.memory_space<vmem>> -> memref<1x1x128xi32, #tpu.memory_space<vmem>>
      %dma_wait3A_236 = tpu.memref_squeeze %dma_wait3A_235 : memref<1x1x128xi32, #tpu.memory_space<vmem>> -> memref<128xi32, #tpu.memory_space<vmem>>
      %dma_wait3A_237 = arith.constant 0 : i32
      %dma_wait3A_238 = arith.constant 0 : i32
      %dma_wait3A_239 = tpu.memref_slice %arg2[%dma_wait3A_237, %dma_wait3A_238] : memref<50560x128xf32, #tpu.memory_space<hbm>> -> memref<50560x128xf32, #tpu.memory_space<hbm>>
      tpu.wait_indirect_dma semaphore(%arg11 : memref<!tpu.dma_semaphore, #tpu.memory_space<semaphore_mem>>) src(%dma_wait3A_239 : memref<50560x128xf32, #tpu.memory_space<hbm>>) dst(%arg8 : memref<128x128xf32, #tpu.memory_space<vmem>>)
      %dma_start3A_240 = arith.constant 2 : i32
      %dma_start3A_241 = arith.constant 1 : i32
      %dma_start3A_242 = arith.constant 0 : i32
      %dma_start3A_243 = tpu.memref_slice %arg7[%dma_start3A_240, %dma_start3A_241, %dma_start3A_242] : memref<4x2x128xi32, #tpu.memory_space<vmem>> -> memref<1x1x128xi32, #tpu.memory_space<vmem>>
      %dma_start3A_244 = tpu.memref_squeeze %dma_start3A_243 : memref<1x1x128xi32, #tpu.memory_space<vmem>> -> memref<128xi32, #tpu.memory_space<vmem>>
      %dma_start3A_245 = arith.constant 0 : i32
      %dma_start3A_246 = arith.constant 0 : i32
      %dma_start3A_247 = tpu.memref_slice %arg10[%dma_start3A_245, %dma_start3A_246] : memref<10112x128xf32, #tpu.memory_space<vmem_shared>> -> memref<10112x128xf32, #tpu.memory_space<vmem_shared>>
      tpu.enqueue_indirect_dma source(%arg8 : memref<128x128xf32, #tpu.memory_space<vmem>>) target(%dma_start3A_247 : memref<10112x128xf32, #tpu.memory_space<vmem_shared>>) offsets(%dma_start3A_244 : memref<128xi32, #tpu.memory_space<vmem>>) semaphore(%arg13 : memref<!tpu.dma_semaphore, #tpu.memory_space<semaphore_mem>>) {add = true}
      %gt3A_248 = arith.constant 0 : i32
      %gt3A_249 = arith.cmpi sgt, %add3A_231, %gt3A_248 : i32
      %convert_element_type3A_250 = arith.extui %gt3A_249 : i1 to i32
      %cond3A_251 = arith.constant 0 : i32
      %cond3A_252 = arith.cmpi ne, %convert_element_type3A_250, %cond3A_251 : i32
      scf.if %cond3A_252 {
        %dma_wait3A_312 = arith.constant 1 : i32
        %dma_wait3A_313 = arith.constant 1 : i32
        %dma_wait3A_314 = arith.constant 0 : i32
        %dma_wait3A_315 = tpu.memref_slice %arg7[%dma_wait3A_312, %dma_wait3A_313, %dma_wait3A_314] : memref<4x2x128xi32, #tpu.memory_space<vmem>> -> memref<1x1x128xi32, #tpu.memory_space<vmem>>
        %dma_wait3A_316 = tpu.memref_squeeze %dma_wait3A_315 : memref<1x1x128xi32, #tpu.memory_space<vmem>> -> memref<128xi32, #tpu.memory_space<vmem>>
        %dma_wait3A_317 = arith.constant 0 : i32
        %dma_wait3A_318 = arith.constant 0 : i32
        %dma_wait3A_319 = tpu.memref_slice %arg10[%dma_wait3A_317, %dma_wait3A_318] : memref<10112x128xf32, #tpu.memory_space<vmem_shared>> -> memref<10112x128xf32, #tpu.memory_space<vmem_shared>>
        tpu.wait_indirect_dma semaphore(%arg14 : memref<!tpu.dma_semaphore, #tpu.memory_space<semaphore_mem>>) src(%arg9 : memref<128x128xf32, #tpu.memory_space<vmem>>) dst(%dma_wait3A_319 : memref<10112x128xf32, #tpu.memory_space<vmem_shared>>)
      } else {
      }
      %gt3A_253 = arith.constant 0 : i32
      %gt3A_254 = arith.cmpi sgt, %add3A_231, %gt3A_253 : i32
      %add3A_255 = arith.constant 3 : i32
      %add3A_256 = arith.addi %add3A_231, %add3A_255 : i32
      %lt3A_257 = arith.constant 80 : i32
      %lt3A_258 = arith.cmpi slt, %add3A_256, %lt3A_257 : i32
      %and3A_259 = arith.andi %gt3A_254, %lt3A_258 : i1
      %convert_element_type3A_260 = arith.extui %and3A_259 : i1 to i32
      %cond3A_261 = arith.constant 0 : i32
      %cond3A_262 = arith.cmpi ne, %convert_element_type3A_260, %cond3A_261 : i32
      scf.if %cond3A_262 {
        %add3A_312 = arith.constant 3 : i32
        %add3A_313 = arith.addi %add3A_231, %add3A_312 : i32
        %mul3A_314 = arith.constant 128 : i32
        %mul3A_315 = arith.muli %add3A_313, %mul3A_314 : i32
        %add3A_316 = arith.addi %mul3A_2, %mul3A_315 : i32
        %dma_start3A_317 = arith.constant 1 : i32
        %dma_start3A_318 = arith.constant 0 : i32
        %dma_start3A_319 = arith.constant 0 : i32
        %dma_start3A_320 = tpu.memref_slice %arg7[%dma_start3A_317, %dma_start3A_318, %dma_start3A_319] : memref<4x2x128xi32, #tpu.memory_space<vmem>> -> memref<1x1x128xi32, #tpu.memory_space<vmem>>
        %dma_start3A_321 = tpu.memref_squeeze %dma_start3A_320 : memref<1x1x128xi32, #tpu.memory_space<vmem>> -> memref<128xi32, #tpu.memory_space<vmem>>
        %dma_start3A_322 = tpu.memref_slice %arg3[%add3A_316] : memref<327680xi32, #tpu.memory_space<hbm>> -> memref<128xi32, #tpu.memory_space<hbm>>
        %dma_start3A_323 = arith.constant 0 : i32
        %dma_start3A_324 = tpu.memref_slice %arg7[%dma_start3A_317, %dma_start3A_318, %dma_start3A_323] : memref<4x2x128xi32, #tpu.memory_space<vmem>> -> memref<1x1x128xi32, #tpu.memory_space<vmem>>
        %dma_start3A_325 = tpu.memref_squeeze %dma_start3A_324 : memref<1x1x128xi32, #tpu.memory_space<vmem>> -> memref<128xi32, #tpu.memory_space<vmem>>
        %dma_start3A_326 = tpu.memref_slice %arg3[%add3A_316] : memref<327680xi32, #tpu.memory_space<hbm>> -> memref<128xi32, #tpu.memory_space<hbm>>
        tpu.enqueue_dma source(%dma_start3A_326 : memref<128xi32, #tpu.memory_space<hbm>>) target(%dma_start3A_325 : memref<128xi32, #tpu.memory_space<vmem>>) target_semaphore(%arg16 : memref<!tpu.dma_semaphore, #tpu.memory_space<semaphore_mem>>)
        %dma_start3A_327 = arith.constant 1 : i32
        %dma_start3A_328 = arith.constant 1 : i32
        %dma_start3A_329 = arith.constant 0 : i32
        %dma_start3A_330 = tpu.memref_slice %arg7[%dma_start3A_327, %dma_start3A_328, %dma_start3A_329] : memref<4x2x128xi32, #tpu.memory_space<vmem>> -> memref<1x1x128xi32, #tpu.memory_space<vmem>>
        %dma_start3A_331 = tpu.memref_squeeze %dma_start3A_330 : memref<1x1x128xi32, #tpu.memory_space<vmem>> -> memref<128xi32, #tpu.memory_space<vmem>>
        %dma_start3A_332 = tpu.memref_slice %arg4[%add3A_316] : memref<327680xi32, #tpu.memory_space<hbm>> -> memref<128xi32, #tpu.memory_space<hbm>>
        %dma_start3A_333 = arith.constant 0 : i32
        %dma_start3A_334 = tpu.memref_slice %arg7[%dma_start3A_327, %dma_start3A_328, %dma_start3A_333] : memref<4x2x128xi32, #tpu.memory_space<vmem>> -> memref<1x1x128xi32, #tpu.memory_space<vmem>>
        %dma_start3A_335 = tpu.memref_squeeze %dma_start3A_334 : memref<1x1x128xi32, #tpu.memory_space<vmem>> -> memref<128xi32, #tpu.memory_space<vmem>>
        %dma_start3A_336 = tpu.memref_slice %arg4[%add3A_316] : memref<327680xi32, #tpu.memory_space<hbm>> -> memref<128xi32, #tpu.memory_space<hbm>>
        tpu.enqueue_dma source(%dma_start3A_336 : memref<128xi32, #tpu.memory_space<hbm>>) target(%dma_start3A_335 : memref<128xi32, #tpu.memory_space<vmem>>) target_semaphore(%arg16 : memref<!tpu.dma_semaphore, #tpu.memory_space<semaphore_mem>>)
      } else {
      }
      %add3A_263 = arith.constant 1 : i32
      %add3A_264 = arith.addi %add3A_231, %add3A_263 : i32
      %lt3A_265 = arith.constant 80 : i32
      %lt3A_266 = arith.cmpi slt, %add3A_264, %lt3A_265 : i32
      %convert_element_type3A_267 = arith.extui %lt3A_266 : i1 to i32
      %cond3A_268 = arith.constant 0 : i32
      %cond3A_269 = arith.cmpi ne, %convert_element_type3A_267, %cond3A_268 : i32
      scf.if %cond3A_269 {
        %add3A_312 = arith.constant 1 : i32
        %add3A_313 = arith.addi %add3A_231, %add3A_312 : i32
        %mul3A_314 = arith.constant 128 : i32
        %mul3A_315 = arith.muli %add3A_313, %mul3A_314 : i32
        %add3A_316 = arith.addi %mul3A_2, %mul3A_315 : i32
        %dma_wait3A_317 = arith.constant 3 : i32
        %dma_wait3A_318 = arith.constant 0 : i32
        %dma_wait3A_319 = arith.constant 0 : i32
        %dma_wait3A_320 = tpu.memref_slice %arg7[%dma_wait3A_317, %dma_wait3A_318, %dma_wait3A_319] : memref<4x2x128xi32, #tpu.memory_space<vmem>> -> memref<1x1x128xi32, #tpu.memory_space<vmem>>
        %dma_wait3A_321 = tpu.memref_squeeze %dma_wait3A_320 : memref<1x1x128xi32, #tpu.memory_space<vmem>> -> memref<128xi32, #tpu.memory_space<vmem>>
        %dma_wait3A_322 = tpu.memref_slice %arg3[%add3A_316] : memref<327680xi32, #tpu.memory_space<hbm>> -> memref<128xi32, #tpu.memory_space<hbm>>
        %dma_wait3A_323 = arith.constant 0 : i32
        %dma_wait3A_324 = tpu.memref_slice %arg7[%dma_wait3A_317, %dma_wait3A_318, %dma_wait3A_323] : memref<4x2x128xi32, #tpu.memory_space<vmem>> -> memref<1x1x128xi32, #tpu.memory_space<vmem>>
        %dma_wait3A_325 = tpu.memref_squeeze %dma_wait3A_324 : memref<1x1x128xi32, #tpu.memory_space<vmem>> -> memref<128xi32, #tpu.memory_space<vmem>>
        %dma_wait3A_326 = tpu.memref_slice %arg3[%add3A_316] : memref<327680xi32, #tpu.memory_space<hbm>> -> memref<128xi32, #tpu.memory_space<hbm>>
        tpu.wait_dma2 semaphore(%arg18 : memref<!tpu.dma_semaphore, #tpu.memory_space<semaphore_mem>>) src(%dma_wait3A_326 : memref<128xi32, #tpu.memory_space<hbm>>) dst(%dma_wait3A_325 : memref<128xi32, #tpu.memory_space<vmem>>)
        %dma_wait3A_327 = arith.constant 3 : i32
        %dma_wait3A_328 = arith.constant 1 : i32
        %dma_wait3A_329 = arith.constant 0 : i32
        %dma_wait3A_330 = tpu.memref_slice %arg7[%dma_wait3A_327, %dma_wait3A_328, %dma_wait3A_329] : memref<4x2x128xi32, #tpu.memory_space<vmem>> -> memref<1x1x128xi32, #tpu.memory_space<vmem>>
        %dma_wait3A_331 = tpu.memref_squeeze %dma_wait3A_330 : memref<1x1x128xi32, #tpu.memory_space<vmem>> -> memref<128xi32, #tpu.memory_space<vmem>>
        %dma_wait3A_332 = tpu.memref_slice %arg4[%add3A_316] : memref<327680xi32, #tpu.memory_space<hbm>> -> memref<128xi32, #tpu.memory_space<hbm>>
        %dma_wait3A_333 = arith.constant 0 : i32
        %dma_wait3A_334 = tpu.memref_slice %arg7[%dma_wait3A_327, %dma_wait3A_328, %dma_wait3A_333] : memref<4x2x128xi32, #tpu.memory_space<vmem>> -> memref<1x1x128xi32, #tpu.memory_space<vmem>>
        %dma_wait3A_335 = tpu.memref_squeeze %dma_wait3A_334 : memref<1x1x128xi32, #tpu.memory_space<vmem>> -> memref<128xi32, #tpu.memory_space<vmem>>
        %dma_wait3A_336 = tpu.memref_slice %arg4[%add3A_316] : memref<327680xi32, #tpu.memory_space<hbm>> -> memref<128xi32, #tpu.memory_space<hbm>>
        tpu.wait_dma2 semaphore(%arg18 : memref<!tpu.dma_semaphore, #tpu.memory_space<semaphore_mem>>) src(%dma_wait3A_336 : memref<128xi32, #tpu.memory_space<hbm>>) dst(%dma_wait3A_335 : memref<128xi32, #tpu.memory_space<vmem>>)
        %dma_start3A_337 = arith.constant 3 : i32
        %dma_start3A_338 = arith.constant 0 : i32
        %dma_start3A_339 = arith.constant 0 : i32
        %dma_start3A_340 = tpu.memref_slice %arg7[%dma_start3A_337, %dma_start3A_338, %dma_start3A_339] : memref<4x2x128xi32, #tpu.memory_space<vmem>> -> memref<1x1x128xi32, #tpu.memory_space<vmem>>
        %dma_start3A_341 = tpu.memref_squeeze %dma_start3A_340 : memref<1x1x128xi32, #tpu.memory_space<vmem>> -> memref<128xi32, #tpu.memory_space<vmem>>
        %dma_start3A_342 = arith.constant 0 : i32
        %dma_start3A_343 = arith.constant 0 : i32
        %dma_start3A_344 = tpu.memref_slice %arg2[%dma_start3A_342, %dma_start3A_343] : memref<50560x128xf32, #tpu.memory_space<hbm>> -> memref<50560x128xf32, #tpu.memory_space<hbm>>
        tpu.enqueue_indirect_dma source(%dma_start3A_344 : memref<50560x128xf32, #tpu.memory_space<hbm>>) target(%arg9 : memref<128x128xf32, #tpu.memory_space<vmem>>) offsets(%dma_start3A_341 : memref<128xi32, #tpu.memory_space<vmem>>) semaphore(%arg12 : memref<!tpu.dma_semaphore, #tpu.memory_space<semaphore_mem>>)
      } else {
      }
      %mul3A_270 = arith.constant 4 : i32
      %mul3A_271 = arith.muli %mul3A_270, %scan3A_146 : i32
      %add3A_272 = arith.constant 3 : i32
      %add3A_273 = arith.addi %mul3A_271, %add3A_272 : i32
      %dma_wait3A_274 = arith.constant 3 : i32
      %dma_wait3A_275 = arith.constant 0 : i32
      %dma_wait3A_276 = arith.constant 0 : i32
      %dma_wait3A_277 = tpu.memref_slice %arg7[%dma_wait3A_274, %dma_wait3A_275, %dma_wait3A_276] : memref<4x2x128xi32, #tpu.memory_space<vmem>> -> memref<1x1x128xi32, #tpu.memory_space<vmem>>
      %dma_wait3A_278 = tpu.memref_squeeze %dma_wait3A_277 : memref<1x1x128xi32, #tpu.memory_space<vmem>> -> memref<128xi32, #tpu.memory_space<vmem>>
      %dma_wait3A_279 = arith.constant 0 : i32
      %dma_wait3A_280 = arith.constant 0 : i32
      %dma_wait3A_281 = tpu.memref_slice %arg2[%dma_wait3A_279, %dma_wait3A_280] : memref<50560x128xf32, #tpu.memory_space<hbm>> -> memref<50560x128xf32, #tpu.memory_space<hbm>>
      tpu.wait_indirect_dma semaphore(%arg12 : memref<!tpu.dma_semaphore, #tpu.memory_space<semaphore_mem>>) src(%dma_wait3A_281 : memref<50560x128xf32, #tpu.memory_space<hbm>>) dst(%arg9 : memref<128x128xf32, #tpu.memory_space<vmem>>)
      %dma_start3A_282 = arith.constant 3 : i32
      %dma_start3A_283 = arith.constant 1 : i32
      %dma_start3A_284 = arith.constant 0 : i32
      %dma_start3A_285 = tpu.memref_slice %arg7[%dma_start3A_282, %dma_start3A_283, %dma_start3A_284] : memref<4x2x128xi32, #tpu.memory_space<vmem>> -> memref<1x1x128xi32, #tpu.memory_space<vmem>>
      %dma_start3A_286 = tpu.memref_squeeze %dma_start3A_285 : memref<1x1x128xi32, #tpu.memory_space<vmem>> -> memref<128xi32, #tpu.memory_space<vmem>>
      %dma_start3A_287 = arith.constant 0 : i32
      %dma_start3A_288 = arith.constant 0 : i32
      %dma_start3A_289 = tpu.memref_slice %arg10[%dma_start3A_287, %dma_start3A_288] : memref<10112x128xf32, #tpu.memory_space<vmem_shared>> -> memref<10112x128xf32, #tpu.memory_space<vmem_shared>>
      tpu.enqueue_indirect_dma source(%arg9 : memref<128x128xf32, #tpu.memory_space<vmem>>) target(%dma_start3A_289 : memref<10112x128xf32, #tpu.memory_space<vmem_shared>>) offsets(%dma_start3A_286 : memref<128xi32, #tpu.memory_space<vmem>>) semaphore(%arg14 : memref<!tpu.dma_semaphore, #tpu.memory_space<semaphore_mem>>) {add = true}
      %gt3A_290 = arith.constant 0 : i32
      %gt3A_291 = arith.cmpi sgt, %add3A_273, %gt3A_290 : i32
      %convert_element_type3A_292 = arith.extui %gt3A_291 : i1 to i32
      %cond3A_293 = arith.constant 0 : i32
      %cond3A_294 = arith.cmpi ne, %convert_element_type3A_292, %cond3A_293 : i32
      scf.if %cond3A_294 {
        %dma_wait3A_312 = arith.constant 2 : i32
        %dma_wait3A_313 = arith.constant 1 : i32
        %dma_wait3A_314 = arith.constant 0 : i32
        %dma_wait3A_315 = tpu.memref_slice %arg7[%dma_wait3A_312, %dma_wait3A_313, %dma_wait3A_314] : memref<4x2x128xi32, #tpu.memory_space<vmem>> -> memref<1x1x128xi32, #tpu.memory_space<vmem>>
        %dma_wait3A_316 = tpu.memref_squeeze %dma_wait3A_315 : memref<1x1x128xi32, #tpu.memory_space<vmem>> -> memref<128xi32, #tpu.memory_space<vmem>>
        %dma_wait3A_317 = arith.constant 0 : i32
        %dma_wait3A_318 = arith.constant 0 : i32
        %dma_wait3A_319 = tpu.memref_slice %arg10[%dma_wait3A_317, %dma_wait3A_318] : memref<10112x128xf32, #tpu.memory_space<vmem_shared>> -> memref<10112x128xf32, #tpu.memory_space<vmem_shared>>
        tpu.wait_indirect_dma semaphore(%arg13 : memref<!tpu.dma_semaphore, #tpu.memory_space<semaphore_mem>>) src(%arg8 : memref<128x128xf32, #tpu.memory_space<vmem>>) dst(%dma_wait3A_319 : memref<10112x128xf32, #tpu.memory_space<vmem_shared>>)
      } else {
      }
      %gt3A_295 = arith.constant 0 : i32
      %gt3A_296 = arith.cmpi sgt, %add3A_273, %gt3A_295 : i32
      %add3A_297 = arith.constant 3 : i32
      %add3A_298 = arith.addi %add3A_273, %add3A_297 : i32
      %lt3A_299 = arith.constant 80 : i32
      %lt3A_300 = arith.cmpi slt, %add3A_298, %lt3A_299 : i32
      %and3A_301 = arith.andi %gt3A_296, %lt3A_300 : i1
      %convert_element_type3A_302 = arith.extui %and3A_301 : i1 to i32
      %cond3A_303 = arith.constant 0 : i32
      %cond3A_304 = arith.cmpi ne, %convert_element_type3A_302, %cond3A_303 : i32
      scf.if %cond3A_304 {
        %add3A_312 = arith.constant 3 : i32
        %add3A_313 = arith.addi %add3A_273, %add3A_312 : i32
        %mul3A_314 = arith.constant 128 : i32
        %mul3A_315 = arith.muli %add3A_313, %mul3A_314 : i32
        %add3A_316 = arith.addi %mul3A_2, %mul3A_315 : i32
        %dma_start3A_317 = arith.constant 2 : i32
        %dma_start3A_318 = arith.constant 0 : i32
        %dma_start3A_319 = arith.constant 0 : i32
        %dma_start3A_320 = tpu.memref_slice %arg7[%dma_start3A_317, %dma_start3A_318, %dma_start3A_319] : memref<4x2x128xi32, #tpu.memory_space<vmem>> -> memref<1x1x128xi32, #tpu.memory_space<vmem>>
        %dma_start3A_321 = tpu.memref_squeeze %dma_start3A_320 : memref<1x1x128xi32, #tpu.memory_space<vmem>> -> memref<128xi32, #tpu.memory_space<vmem>>
        %dma_start3A_322 = tpu.memref_slice %arg3[%add3A_316] : memref<327680xi32, #tpu.memory_space<hbm>> -> memref<128xi32, #tpu.memory_space<hbm>>
        %dma_start3A_323 = arith.constant 0 : i32
        %dma_start3A_324 = tpu.memref_slice %arg7[%dma_start3A_317, %dma_start3A_318, %dma_start3A_323] : memref<4x2x128xi32, #tpu.memory_space<vmem>> -> memref<1x1x128xi32, #tpu.memory_space<vmem>>
        %dma_start3A_325 = tpu.memref_squeeze %dma_start3A_324 : memref<1x1x128xi32, #tpu.memory_space<vmem>> -> memref<128xi32, #tpu.memory_space<vmem>>
        %dma_start3A_326 = tpu.memref_slice %arg3[%add3A_316] : memref<327680xi32, #tpu.memory_space<hbm>> -> memref<128xi32, #tpu.memory_space<hbm>>
        tpu.enqueue_dma source(%dma_start3A_326 : memref<128xi32, #tpu.memory_space<hbm>>) target(%dma_start3A_325 : memref<128xi32, #tpu.memory_space<vmem>>) target_semaphore(%arg17 : memref<!tpu.dma_semaphore, #tpu.memory_space<semaphore_mem>>)
        %dma_start3A_327 = arith.constant 2 : i32
        %dma_start3A_328 = arith.constant 1 : i32
        %dma_start3A_329 = arith.constant 0 : i32
        %dma_start3A_330 = tpu.memref_slice %arg7[%dma_start3A_327, %dma_start3A_328, %dma_start3A_329] : memref<4x2x128xi32, #tpu.memory_space<vmem>> -> memref<1x1x128xi32, #tpu.memory_space<vmem>>
        %dma_start3A_331 = tpu.memref_squeeze %dma_start3A_330 : memref<1x1x128xi32, #tpu.memory_space<vmem>> -> memref<128xi32, #tpu.memory_space<vmem>>
        %dma_start3A_332 = tpu.memref_slice %arg4[%add3A_316] : memref<327680xi32, #tpu.memory_space<hbm>> -> memref<128xi32, #tpu.memory_space<hbm>>
        %dma_start3A_333 = arith.constant 0 : i32
        %dma_start3A_334 = tpu.memref_slice %arg7[%dma_start3A_327, %dma_start3A_328, %dma_start3A_333] : memref<4x2x128xi32, #tpu.memory_space<vmem>> -> memref<1x1x128xi32, #tpu.memory_space<vmem>>
        %dma_start3A_335 = tpu.memref_squeeze %dma_start3A_334 : memref<1x1x128xi32, #tpu.memory_space<vmem>> -> memref<128xi32, #tpu.memory_space<vmem>>
        %dma_start3A_336 = tpu.memref_slice %arg4[%add3A_316] : memref<327680xi32, #tpu.memory_space<hbm>> -> memref<128xi32, #tpu.memory_space<hbm>>
        tpu.enqueue_dma source(%dma_start3A_336 : memref<128xi32, #tpu.memory_space<hbm>>) target(%dma_start3A_335 : memref<128xi32, #tpu.memory_space<vmem>>) target_semaphore(%arg17 : memref<!tpu.dma_semaphore, #tpu.memory_space<semaphore_mem>>)
      } else {
      }
      %add3A_305 = arith.constant 1 : i32
      %add3A_306 = arith.addi %add3A_273, %add3A_305 : i32
      %lt3A_307 = arith.constant 80 : i32
      %lt3A_308 = arith.cmpi slt, %add3A_306, %lt3A_307 : i32
      %convert_element_type3A_309 = arith.extui %lt3A_308 : i1 to i32
      %cond3A_310 = arith.constant 0 : i32
      %cond3A_311 = arith.cmpi ne, %convert_element_type3A_309, %cond3A_310 : i32
      scf.if %cond3A_311 {
        %add3A_312 = arith.constant 1 : i32
        %add3A_313 = arith.addi %add3A_273, %add3A_312 : i32
        %mul3A_314 = arith.constant 128 : i32
        %mul3A_315 = arith.muli %add3A_313, %mul3A_314 : i32
        %add3A_316 = arith.addi %mul3A_2, %mul3A_315 : i32
        %dma_wait3A_317 = arith.constant 0 : i32
        %dma_wait3A_318 = arith.constant 0 : i32
        %dma_wait3A_319 = arith.constant 0 : i32
        %dma_wait3A_320 = tpu.memref_slice %arg7[%dma_wait3A_317, %dma_wait3A_318, %dma_wait3A_319] : memref<4x2x128xi32, #tpu.memory_space<vmem>> -> memref<1x1x128xi32, #tpu.memory_space<vmem>>
        %dma_wait3A_321 = tpu.memref_squeeze %dma_wait3A_320 : memref<1x1x128xi32, #tpu.memory_space<vmem>> -> memref<128xi32, #tpu.memory_space<vmem>>
        %dma_wait3A_322 = tpu.memref_slice %arg3[%add3A_316] : memref<327680xi32, #tpu.memory_space<hbm>> -> memref<128xi32, #tpu.memory_space<hbm>>
        %dma_wait3A_323 = arith.constant 0 : i32
        %dma_wait3A_324 = tpu.memref_slice %arg7[%dma_wait3A_317, %dma_wait3A_318, %dma_wait3A_323] : memref<4x2x128xi32, #tpu.memory_space<vmem>> -> memref<1x1x128xi32, #tpu.memory_space<vmem>>
        %dma_wait3A_325 = tpu.memref_squeeze %dma_wait3A_324 : memref<1x1x128xi32, #tpu.memory_space<vmem>> -> memref<128xi32, #tpu.memory_space<vmem>>
        %dma_wait3A_326 = tpu.memref_slice %arg3[%add3A_316] : memref<327680xi32, #tpu.memory_space<hbm>> -> memref<128xi32, #tpu.memory_space<hbm>>
        tpu.wait_dma2 semaphore(%arg15 : memref<!tpu.dma_semaphore, #tpu.memory_space<semaphore_mem>>) src(%dma_wait3A_326 : memref<128xi32, #tpu.memory_space<hbm>>) dst(%dma_wait3A_325 : memref<128xi32, #tpu.memory_space<vmem>>)
        %dma_wait3A_327 = arith.constant 0 : i32
        %dma_wait3A_328 = arith.constant 1 : i32
        %dma_wait3A_329 = arith.constant 0 : i32
        %dma_wait3A_330 = tpu.memref_slice %arg7[%dma_wait3A_327, %dma_wait3A_328, %dma_wait3A_329] : memref<4x2x128xi32, #tpu.memory_space<vmem>> -> memref<1x1x128xi32, #tpu.memory_space<vmem>>
        %dma_wait3A_331 = tpu.memref_squeeze %dma_wait3A_330 : memref<1x1x128xi32, #tpu.memory_space<vmem>> -> memref<128xi32, #tpu.memory_space<vmem>>
        %dma_wait3A_332 = tpu.memref_slice %arg4[%add3A_316] : memref<327680xi32, #tpu.memory_space<hbm>> -> memref<128xi32, #tpu.memory_space<hbm>>
        %dma_wait3A_333 = arith.constant 0 : i32
        %dma_wait3A_334 = tpu.memref_slice %arg7[%dma_wait3A_327, %dma_wait3A_328, %dma_wait3A_333] : memref<4x2x128xi32, #tpu.memory_space<vmem>> -> memref<1x1x128xi32, #tpu.memory_space<vmem>>
        %dma_wait3A_335 = tpu.memref_squeeze %dma_wait3A_334 : memref<1x1x128xi32, #tpu.memory_space<vmem>> -> memref<128xi32, #tpu.memory_space<vmem>>
        %dma_wait3A_336 = tpu.memref_slice %arg4[%add3A_316] : memref<327680xi32, #tpu.memory_space<hbm>> -> memref<128xi32, #tpu.memory_space<hbm>>
        tpu.wait_dma2 semaphore(%arg15 : memref<!tpu.dma_semaphore, #tpu.memory_space<semaphore_mem>>) src(%dma_wait3A_336 : memref<128xi32, #tpu.memory_space<hbm>>) dst(%dma_wait3A_335 : memref<128xi32, #tpu.memory_space<vmem>>)
        %dma_start3A_337 = arith.constant 0 : i32
        %dma_start3A_338 = arith.constant 0 : i32
        %dma_start3A_339 = arith.constant 0 : i32
        %dma_start3A_340 = tpu.memref_slice %arg7[%dma_start3A_337, %dma_start3A_338, %dma_start3A_339] : memref<4x2x128xi32, #tpu.memory_space<vmem>> -> memref<1x1x128xi32, #tpu.memory_space<vmem>>
        %dma_start3A_341 = tpu.memref_squeeze %dma_start3A_340 : memref<1x1x128xi32, #tpu.memory_space<vmem>> -> memref<128xi32, #tpu.memory_space<vmem>>
        %dma_start3A_342 = arith.constant 0 : i32
        %dma_start3A_343 = arith.constant 0 : i32
        %dma_start3A_344 = tpu.memref_slice %arg2[%dma_start3A_342, %dma_start3A_343] : memref<50560x128xf32, #tpu.memory_space<hbm>> -> memref<50560x128xf32, #tpu.memory_space<hbm>>
        tpu.enqueue_indirect_dma source(%dma_start3A_344 : memref<50560x128xf32, #tpu.memory_space<hbm>>) target(%arg8 : memref<128x128xf32, #tpu.memory_space<vmem>>) offsets(%dma_start3A_341 : memref<128xi32, #tpu.memory_space<vmem>>) semaphore(%arg11 : memref<!tpu.dma_semaphore, #tpu.memory_space<semaphore_mem>>)
      } else {
      }
    }
    %scan3A_132 = arith.constant 20 : i32
    %dma_wait3A_133 = arith.constant 3 : i32
    %dma_wait3A_134 = arith.constant 1 : i32
    %dma_wait3A_135 = arith.constant 0 : i32
    %dma_wait3A_136 = tpu.memref_slice %arg7[%dma_wait3A_133, %dma_wait3A_134, %dma_wait3A_135] : memref<4x2x128xi32, #tpu.memory_space<vmem>> -> memref<1x1x128xi32, #tpu.memory_space<vmem>>
    %dma_wait3A_137 = tpu.memref_squeeze %dma_wait3A_136 : memref<1x1x128xi32, #tpu.memory_space<vmem>> -> memref<128xi32, #tpu.memory_space<vmem>>
    %dma_wait3A_138 = arith.constant 0 : i32
    %dma_wait3A_139 = arith.constant 0 : i32
    %dma_wait3A_140 = tpu.memref_slice %arg10[%dma_wait3A_138, %dma_wait3A_139] : memref<10112x128xf32, #tpu.memory_space<vmem_shared>> -> memref<10112x128xf32, #tpu.memory_space<vmem_shared>>
    tpu.wait_indirect_dma semaphore(%arg14 : memref<!tpu.dma_semaphore, #tpu.memory_space<semaphore_mem>>) src(%arg9 : memref<128x128xf32, #tpu.memory_space<vmem>>) dst(%dma_wait3A_140 : memref<10112x128xf32, #tpu.memory_space<vmem_shared>>)
    %barrier3A_141 = arith.constant 0 : index
    tpu.barrier barrier_id(%barrier3A_141)
    %mul3A_142 = arith.constant 632 : i32
    %mul3A_143 = arith.muli %arg1, %mul3A_142 : i32
    %mul3A_144 = arith.constant 632 : i32
    %mul3A_145 = arith.muli %arg1, %mul3A_144 : i32
    "tpu.region"() ({
      %run_scoped3A = tpu.sem_alloc : memref<!tpu.dma_semaphore, #tpu.memory_space<semaphore_mem>>
      %dma_start3A_146 = arith.constant 0 : i32
      %dma_start3A_147 = arith.constant 0 : i32
      %dma_start3A_148 = tpu.memref_slice %arg6[%arg0, %dma_start3A_146, %dma_start3A_147] : memref<2x10112x128xf32, #tpu.memory_space<hbm>> -> memref<1x10112x128xf32, #tpu.memory_space<hbm>>
      %dma_start3A_149 = tpu.memref_squeeze %dma_start3A_148 : memref<1x10112x128xf32, #tpu.memory_space<hbm>> -> memref<10112x128xf32, #tpu.memory_space<hbm>>
      %dma_start3A_150 = arith.constant 0 : i32
      %dma_start3A_151 = tpu.memref_slice %dma_start3A_149[%mul3A_145, %dma_start3A_150] : memref<10112x128xf32, #tpu.memory_space<hbm>> -> memref<632x128xf32, #tpu.memory_space<hbm>>
      %dma_start3A_152 = arith.constant 0 : i32
      %dma_start3A_153 = tpu.memref_slice %arg10[%mul3A_143, %dma_start3A_152] : memref<10112x128xf32, #tpu.memory_space<vmem_shared>> -> memref<632x128xf32, #tpu.memory_space<vmem_shared>>
      tpu.enqueue_dma source(%dma_start3A_153 : memref<632x128xf32, #tpu.memory_space<vmem_shared>>) target(%dma_start3A_151 : memref<632x128xf32, #tpu.memory_space<hbm>>) target_semaphore(%run_scoped3A : memref<!tpu.dma_semaphore, #tpu.memory_space<semaphore_mem>>)
      %dma_wait3A_154 = arith.constant 0 : i32
      %dma_wait3A_155 = arith.constant 0 : i32
      %dma_wait3A_156 = tpu.memref_slice %arg6[%arg0, %dma_wait3A_154, %dma_wait3A_155] : memref<2x10112x128xf32, #tpu.memory_space<hbm>> -> memref<1x10112x128xf32, #tpu.memory_space<hbm>>
      %dma_wait3A_157 = tpu.memref_squeeze %dma_wait3A_156 : memref<1x10112x128xf32, #tpu.memory_space<hbm>> -> memref<10112x128xf32, #tpu.memory_space<hbm>>
      %dma_wait3A_158 = arith.constant 0 : i32
      %dma_wait3A_159 = tpu.memref_slice %dma_wait3A_157[%mul3A_145, %dma_wait3A_158] : memref<10112x128xf32, #tpu.memory_space<hbm>> -> memref<632x128xf32, #tpu.memory_space<hbm>>
      %dma_wait3A_160 = arith.constant 0 : i32
      %dma_wait3A_161 = tpu.memref_slice %arg10[%mul3A_143, %dma_wait3A_160] : memref<10112x128xf32, #tpu.memory_space<vmem_shared>> -> memref<632x128xf32, #tpu.memory_space<vmem_shared>>
      tpu.wait_dma2 semaphore(%run_scoped3A : memref<!tpu.dma_semaphore, #tpu.memory_space<semaphore_mem>>) src(%dma_wait3A_161 : memref<632x128xf32, #tpu.memory_space<vmem_shared>>) dst(%dma_wait3A_159 : memref<632x128xf32, #tpu.memory_space<hbm>>)
      tpu.yield
    }) : () -> ()
    return
  }
}

module attributes {stable_mosaic.version = 14 : i64} {
  func.func @_transform_body(%arg0: i32, %arg1: memref<10000x128xf32, #tpu.memory_space<vmem>>, %arg2: memref<10000x1xf32, #tpu.memory_space<vmem>>, %arg3: memref<1x4x32x32xf32, #tpu.memory_space<vmem>>, %arg4: memref<10112x128xf32, #tpu.memory_space<vmem>>) attributes {dimension_semantics = [#tpu.dimension_semantics<arbitrary>], iteration_bounds = array<i64: 5>, scalar_prefetch = 0 : i64, scratch_operands = 0 : i64, tpu.core_type = #tpu.core_type<tc>, window_params = [{pipeline_mode = #tpu.pipeline_mode<synchronous>, transform_indices = @transform_0, window_bounds = array<i64: 10000, 128>}, {pipeline_mode = #tpu.pipeline_mode<synchronous>, transform_indices = @transform_1, window_bounds = array<i64: 10000, 1>}, {transform_indices = @transform_2, window_bounds = array<i64: 1, 4, 32, 32>}, {transform_indices = @transform_3, window_bounds = array<i64: 10112, 128>}]} {
    %get3A = arith.constant 0 : index
    %get3A_0 = arith.constant 0 : index
    %get3A_1 = vector.load %arg1[%get3A, %get3A_0] : memref<10000x128xf32, #tpu.memory_space<vmem>>, vector<10000x128xf32>
    %broadcast_in_dim3A = arith.constant 0.000000e+00 : f32
    %broadcast_in_dim3A_2 = vector.broadcast %broadcast_in_dim3A : f32 to vector<32x32xf32>
    %get3A_3 = arith.constant 0 : index
    %get3A_4 = arith.constant 0 : index
    %get3A_5 = arith.constant 0 : index
    %get3A_6 = arith.constant 0 : index
    %get3A_7 = vector.load %arg3[%get3A_3, %get3A_4, %get3A_5, %get3A_6] : memref<1x4x32x32xf32, #tpu.memory_space<vmem>>, vector<1x1x32x32xf32>
    %get3A_8 = vector.shape_cast %get3A_7 : vector<1x1x32x32xf32> to vector<32x32xf32>
    %concatenate3A = tpu.concatenate %get3A_8, %broadcast_in_dim3A_2, %broadcast_in_dim3A_2, %broadcast_in_dim3A_2 in 1 : vector<32x32xf32>, vector<32x32xf32>, vector<32x32xf32>, vector<32x32xf32> -> vector<32x128xf32>
    %get3A_9 = arith.constant 0 : index
    %get3A_10 = arith.constant 1 : index
    %get3A_11 = arith.constant 0 : index
    %get3A_12 = arith.constant 0 : index
    %get3A_13 = vector.load %arg3[%get3A_9, %get3A_10, %get3A_11, %get3A_12] : memref<1x4x32x32xf32, #tpu.memory_space<vmem>>, vector<1x1x32x32xf32>
    %get3A_14 = vector.shape_cast %get3A_13 : vector<1x1x32x32xf32> to vector<32x32xf32>
    %concatenate3A_15 = tpu.concatenate %broadcast_in_dim3A_2, %get3A_14, %broadcast_in_dim3A_2, %broadcast_in_dim3A_2 in 1 : vector<32x32xf32>, vector<32x32xf32>, vector<32x32xf32>, vector<32x32xf32> -> vector<32x128xf32>
    %get3A_16 = arith.constant 0 : index
    %get3A_17 = arith.constant 2 : index
    %get3A_18 = arith.constant 0 : index
    %get3A_19 = arith.constant 0 : index
    %get3A_20 = vector.load %arg3[%get3A_16, %get3A_17, %get3A_18, %get3A_19] : memref<1x4x32x32xf32, #tpu.memory_space<vmem>>, vector<1x1x32x32xf32>
    %get3A_21 = vector.shape_cast %get3A_20 : vector<1x1x32x32xf32> to vector<32x32xf32>
    %concatenate3A_22 = tpu.concatenate %broadcast_in_dim3A_2, %broadcast_in_dim3A_2, %get3A_21, %broadcast_in_dim3A_2 in 1 : vector<32x32xf32>, vector<32x32xf32>, vector<32x32xf32>, vector<32x32xf32> -> vector<32x128xf32>
    %get3A_23 = arith.constant 0 : index
    %get3A_24 = arith.constant 3 : index
    %get3A_25 = arith.constant 0 : index
    %get3A_26 = arith.constant 0 : index
    %get3A_27 = vector.load %arg3[%get3A_23, %get3A_24, %get3A_25, %get3A_26] : memref<1x4x32x32xf32, #tpu.memory_space<vmem>>, vector<1x1x32x32xf32>
    %get3A_28 = vector.shape_cast %get3A_27 : vector<1x1x32x32xf32> to vector<32x32xf32>
    %concatenate3A_29 = tpu.concatenate %broadcast_in_dim3A_2, %broadcast_in_dim3A_2, %broadcast_in_dim3A_2, %get3A_28 in 1 : vector<32x32xf32>, vector<32x32xf32>, vector<32x32xf32>, vector<32x32xf32> -> vector<32x128xf32>
    %concatenate3A_30 = tpu.concatenate %concatenate3A, %concatenate3A_15, %concatenate3A_22, %concatenate3A_29 in 0 : vector<32x128xf32>, vector<32x128xf32>, vector<32x128xf32>, vector<32x128xf32> -> vector<128x128xf32>
    %dot_general3A = arith.constant dense<0.000000e+00> : vector<10000x128xf32>
    %dot_general3A_31 = tpu.matmul %get3A_1, %concatenate3A_30, %dot_general3A {dimension_numbers = #tpu.dot_dimension_numbers<[1], [0], [0], [1], [0, 0, 1, 1], [], []>, transpose_lhs_hint = false} : vector<10000x128xf32>, vector<128x128xf32>, vector<10000x128xf32> -> vector<10000x128xf32>
    %eq3A = arith.constant 4 : i32
    %eq3A_32 = arith.cmpi eq, %arg0, %eq3A : i32
    %get3A_33 = arith.constant 0 : index
    %get3A_34 = arith.constant 0 : index
    %get3A_35 = vector.load %arg2[%get3A_33, %get3A_34] : memref<10000x1xf32, #tpu.memory_space<vmem>>, vector<10000x1xf32>
    %mul3A = vector.broadcast %get3A_35 : vector<10000x1xf32> to vector<10000x128xf32>
    %mul3A_36 = arith.mulf %dot_general3A_31, %mul3A : vector<10000x128xf32>
    %select_n3A = arith.select %eq3A_32, %mul3A_36, %dot_general3A_31 : vector<10000x128xf32>
    %swap3A = arith.constant 0 : index
    %swap3A_37 = arith.constant 0 : index
    %swap3A_38 = vector.load %arg4[%swap3A, %swap3A_37] : memref<10112x128xf32, #tpu.memory_space<vmem>>, vector<10000x128xf32>
    tpu.vector_store %arg4[%swap3A, %swap3A_37], %select_n3A {strides = array<i32>} : memref<10112x128xf32, #tpu.memory_space<vmem>>, vector<10000x128xf32>,
    return
  }
  func.func @transform_0(%arg0: i32) -> (i32, i32) {
    %c0_i32 = arith.constant 0 : i32
    %c0_i32_0 = arith.constant 0 : i32
    %c0_i32_1 = arith.constant 0 : i32
    return %c0_i32, %c0_i32_0 : i32, i32
  }
  func.func @transform_1(%arg0: i32) -> (i32, i32) {
    %c0_i32 = arith.constant 0 : i32
    %c0_i32_0 = arith.constant 0 : i32
    %c0_i32_1 = arith.constant 0 : i32
    return %c0_i32, %c0_i32_0 : i32, i32
  }
  func.func @transform_2(%arg0: i32) -> (i32, i32, i32, i32) {
    %c0_i32 = arith.constant 0 : i32
    %c0_i32_0 = arith.constant 0 : i32
    %c0_i32_1 = arith.constant 0 : i32
    %c0_i32_2 = arith.constant 0 : i32
    return %arg0, %c0_i32, %c0_i32_0, %c0_i32_1 : i32, i32, i32, i32
  }
  func.func @transform_3(%arg0: i32) -> (i32, i32) {
    %c0_i32 = arith.constant 0 : i32
    %c0_i32_0 = arith.constant 0 : i32
    return %arg0, %c0_i32 : i32, i32
  }
}

module attributes {stable_mosaic.version = 14 : i64} {
  func.func @_combine_body(%arg0: i32, %arg1: memref<1x2000x128xf32, #tpu.memory_space<vmem>>, %arg2: memref<1x2000x128xf32, #tpu.memory_space<vmem>>, %arg3: memref<2000x128xf32, #tpu.memory_space<vmem>>) attributes {dimension_semantics = [#tpu.dimension_semantics<arbitrary>], iteration_bounds = array<i64: 5>, scalar_prefetch = 0 : i64, scratch_operands = 0 : i64, tpu.core_type = #tpu.core_type<tc>, window_params = [{transform_indices = @transform_0, window_bounds = array<i64: 1, 2000, 128>}, {transform_indices = @transform_1, window_bounds = array<i64: 1, 2000, 128>}, {transform_indices = @transform_2, window_bounds = array<i64: 2000, 128>}]} {
    %get3A = arith.constant 0 : index
    %get3A_0 = arith.constant 0 : index
    %get3A_1 = arith.constant 0 : index
    %get3A_2 = vector.load %arg1[%get3A, %get3A_0, %get3A_1] : memref<1x2000x128xf32, #tpu.memory_space<vmem>>, vector<1x2000x128xf32>
    %get3A_3 = vector.shape_cast %get3A_2 : vector<1x2000x128xf32> to vector<2000x128xf32>
    %get3A_4 = arith.constant 0 : index
    %get3A_5 = arith.constant 0 : index
    %get3A_6 = arith.constant 0 : index
    %get3A_7 = vector.load %arg2[%get3A_4, %get3A_5, %get3A_6] : memref<1x2000x128xf32, #tpu.memory_space<vmem>>, vector<1x2000x128xf32>
    %get3A_8 = vector.shape_cast %get3A_7 : vector<1x2000x128xf32> to vector<2000x128xf32>
    %add3A = arith.addf %get3A_3, %get3A_8 : vector<2000x128xf32>
    %swap3A = arith.constant 0 : index
    %swap3A_9 = arith.constant 0 : index
    %swap3A_10 = vector.load %arg3[%swap3A, %swap3A_9] : memref<2000x128xf32, #tpu.memory_space<vmem>>, vector<2000x128xf32>
    tpu.vector_store %arg3[%swap3A, %swap3A_9], %add3A {strides = array<i32>} : memref<2000x128xf32, #tpu.memory_space<vmem>>, vector<2000x128xf32>,
    return
  }
  func.func @transform_0(%arg0: i32) -> (i32, i32, i32) {
    %c0_i32 = arith.constant 0 : i32
    %c0_i32_0 = arith.constant 0 : i32
    %c0_i32_1 = arith.constant 0 : i32
    return %c0_i32, %arg0, %c0_i32_0 : i32, i32, i32
  }
  func.func @transform_1(%arg0: i32) -> (i32, i32, i32) {
    %c1_i32 = arith.constant 1 : i32
    %c0_i32 = arith.constant 0 : i32
    %c0_i32_0 = arith.constant 0 : i32
    return %c1_i32, %arg0, %c0_i32 : i32, i32, i32
  }
  func.func @transform_2(%arg0: i32) -> (i32, i32) {
    %c0_i32 = arith.constant 0 : i32
    %c0_i32_0 = arith.constant 0 : i32
    return %arg0, %c0_i32 : i32, i32
  }
}

</mosaic_0001>

<sc_bundles>
// kernel: kernel.5.cloned.1.call-start
scs
__scs_entry_jumppad:
0x0: {  	(pc) =	sbr.rel $0x88, $3  }
0x1: {  	(tag) =	ssettag $0x0;
	lr =	simm.s32 $0x1  }
0x2: {  	[smem:$0x3F9B] =	sst lr;
	_ =	strace $0xD0000000  }
0x3: {  	_ = 	snop  }
0x4: {  	_ = 	snop  }
0x5: {  	_ = 	snop  }
0x6: {  	_ = 	snop  }
0x7: {  	_ = 	snop  }
__scs_overlays_trampoline_lowered:
0x8: {  	[smem:$0x3FAA] =	sst s0  }
0x9: {  	[smem:$0x3FAB] =	sst s1  }
0xa: {  	[smem:$0x3FAC] =	sst s2  }
0xb: {  	[smem:$0x3FAD] =	sst s3  }
0xc: {  	[smem:$0x3FAE] =	sst s4  }
0xd: {  	[smem:$0x3FAF] =	sst s5  }
0xe: {  	[smem:$0x3FB0] =	sst s6  }
0xf: {  	[smem:$0x3FB1] =	sst s7  }
0x10: {  	[smem:$0x3FB2] =	sst s8  }
0x11: {  	[smem:$0x3FB3] =	sst s9;
	s0 =	simm.s32 @!p0 $0x0  }
0x12: {  	s1 =	sld [smem:$0x3F99];
	s0 =	simm.s32 @p0 $0x1  }
0x13: {  	[smem:$0x3FB4] =	sst s0;
	s0 =	simm.s32 @!p1 $0x0  }
0x14: {  	s2 =	sld [smem:$0x3F98];
	s0 =	simm.s32 @p1 $0x1  }
0x15: {  	[smem:$0x3FB5] =	sst s0;
	s0 =	simm.s32 @!p2 $0x0  }
0x16: {  	s3 =	sld [smem:$0x3FDB];
	s0 =	simm.s32 @p2 $0x1  }
0x17: {  	s4 =	simm.s32 $0x1BF5;
	[smem:$0x3FB7] =	sst s0  }
0x18: {  	s0 =	sld [smem:$0x3F9A];
	_ =	swait.ge [sflag:s4], $0x0  }
0x19: {  	s7 =	sld [smem:$0x3F9B]  }
0x1a: {  	s8 =	sadd.s32 $0xFFFFE003, lr  }
0x1b: {  	s9 =	sadd.s32 $0xFFFFFEF7, lr;
	s5 =	simm.s32 $0xFFFFFFFF;
	p2 =	slt.u32 s8, $0xFFFFF086  }
0x1c: {  	p1 =	slt.u32 s9, $0xF7A;
	s5 =	simm.s32 @!p2 $0x0  }
0x1d: {  	s5 =	simm.s32 @p1 $0x1;
	p0 =	seq.s32 s7, s2  }
0x1e: {  	s7 =	smul.u32 @!p0 $0xF7A, s2;
	p2 =	seq.s32 @!p0 s5, $0x0  }
0x1f: {  	s9 =	smul.u32 $0xF7A, s1;
	s8 =	simm.s32 @!p0 $0x1BF5;
	p2 =	por !p2, p0  }
0x20: {  	[sflag:s8] =	ssyncset.s32 @!p0 $0xFFFFF086;
	s6 =	sadd.s32 @!p0 s3, s7;
	s7 =	simm.s32 @!p0 $0x108  }
0x21: {  	s3 =	sadd.s32 s3, s9;
	s6 =	sadd.s32 @!p0 $0x88, s6;
	s7 =	simm.s32 @p2 $0x1082  }
0x22: {  	[simem:s7], [sflag:s8] =	dma.local @!p0 [hbm:s6], $0xF7A  }
0x23: {  	s9 =	sor.u32 $0xD0000000, s2;
	s6 =	simm.s32 $0x108;
	_ =	swait.ge @!p0 [sflag:s8], $0x0  }
0x24: {  	s3 =	sadd.s32 $0x88, s3;
	s6 =	simm.s32 @!p1 $0x1082;
	[sflag:s4] =	ssyncset.s32 $0xFFFFF086  }
0x25: {  	[simem:s6], [sflag:s4] =	dma.local [hbm:s3], $0xF7A  }
0x26: {  	[smem:$0x3F9B] =	sst s1;
	(tag) =	ssettag s2;
	_ =	strace s9  }
0x27: {  	s1 =	sld [smem:$0x3FAB]  }
0x28: {  	s2 =	sld [smem:$0x3FAC]  }
0x29: {  	s4 =	sld [smem:$0x3FAE]  }
0x2a: {  	p0 =	seq.s32 s5, $0x0;
	s5 =	sld [smem:$0x3FAF]  }
0x2b: {  	s6 =	sld [smem:$0x3FB0]  }
0x2c: {  	s7 =	sld [smem:$0x3FB1]  }
0x2d: {  	s3 =	simm.s32 $0x108;
	s8 =	sld [smem:$0x3FB2]  }
0x2e: {  	s3 =	simm.s32 @!p0 $0x1082;
	s9 =	sld [smem:$0x3FB3]  }
0x2f: {  	lr =	sadd.s32 s0, s3;
	s0 =	sld [smem:$0x3FAA]  }
0x30: {  	s3 =	sld [smem:$0x3FAD]  }
0x31: {  	[smem:$0x3FB6] =	sst s10  }
0x32: {  	s10 =	sld [smem:$0x3FB4];
	_ =	sdelay $0x3  }
0x33: {  	p0 =	seq.s32 s10, $0x1;
	s10 =	sld [smem:$0x3FB6];
	_ =	sdelay $0x3  }
0x34: {  	[smem:$0x3FB6] =	sst s10  }
0x35: {  	s10 =	sld [smem:$0x3FB5];
	_ =	sdelay $0x3  }
0x36: {  	p1 =	seq.s32 s10, $0x1;
	s10 =	sld [smem:$0x3FB6];
	_ =	sdelay $0x3  }
0x37: {  	[smem:$0x3FB6] =	sst s10  }
0x38: {  	s10 =	sld [smem:$0x3FB7]  }
0x39: {  	_ = 	snop;
	(pc) =	sbr.ind lr, $3  }
0x3a: {  	_ = 	snop  }
0x3b: {  	_ = 	snop  }
0x3c: {  	p2 =	seq.s32 s10, $0x1;
	s10 =	sld [smem:$0x3FB6]  }
0x3d: {  	_ =	shalt  }
0x3e: {  	_ =	shalt  }
0x3f: {  	_ =	shalt  }
0x40: {  	_ =	shalt  }
0x41: {  	_ =	shalt  }
0x42: {  	_ =	shalt  }
0x43: {  	_ =	shalt  }
0x44: {  	_ =	shalt  }
0x45: {  	_ =	shalt  }
0x46: {  	_ =	shalt  }
0x47: {  	_ =	shalt  }
0x48: {  	_ =	shalt  }
0x49: {  	_ =	shalt  }
0x4a: {  	_ =	shalt  }
0x4b: {  	_ =	shalt  }
0x4c: {  	_ =	shalt  }
0x4d: {  	_ =	shalt  }
0x4e: {  	_ =	shalt  }
0x4f: {  	_ =	shalt  }
0x50: {  	_ =	shalt  }
0x51: {  	_ =	shalt  }
0x52: {  	_ =	shalt  }
0x53: {  	_ =	shalt  }
0x54: {  	_ =	shalt  }
0x55: {  	_ =	shalt  }
0x56: {  	_ =	shalt  }
0x57: {  	_ =	shalt  }
0x58: {  	_ =	shalt  }
0x59: {  	_ =	shalt  }
0x5a: {  	_ =	shalt  }
0x5b: {  	_ =	shalt  }
0x5c: {  	_ =	shalt  }
0x5d: {  	_ =	shalt  }
0x5e: {  	_ =	shalt  }
0x5f: {  	_ =	shalt  }
0x60: {  	_ =	shalt  }
0x61: {  	_ =	shalt  }
0x62: {  	_ =	shalt  }
0x63: {  	_ =	shalt  }
0x64: {  	_ =	shalt  }
0x65: {  	_ =	shalt  }
0x66: {  	_ =	shalt  }
0x67: {  	_ =	shalt  }
0x68: {  	_ =	shalt  }
0x69: {  	_ =	shalt  }
0x6a: {  	_ =	shalt  }
0x6b: {  	_ =	shalt  }
0x6c: {  	_ =	shalt  }
0x6d: {  	_ =	shalt  }
0x6e: {  	_ =	shalt  }
0x6f: {  	_ =	shalt  }
0x70: {  	_ =	shalt  }
0x71: {  	_ =	shalt  }
0x72: {  	_ =	shalt  }
0x73: {  	_ =	shalt  }
0x74: {  	_ =	shalt  }
0x75: {  	_ =	shalt  }
0x76: {  	_ =	shalt  }
0x77: {  	_ =	shalt  }
0x78: {  	_ =	shalt  }
0x79: {  	_ =	shalt  }
0x7a: {  	_ =	shalt  }
0x7b: {  	_ =	shalt  }
0x7c: {  	_ =	shalt  }
0x7d: {  	_ =	shalt  }
0x7e: {  	_ =	shalt  }
0x7f: {  	_ =	shalt  }
0x80: {  	_ =	shalt  }
0x81: {  	_ =	shalt  }
0x82: {  	_ =	shalt  }
0x83: {  	_ =	shalt  }
0x84: {  	_ =	shalt  }
0x85: {  	_ =	shalt  }
0x86: {  	_ =	shalt  }
0x87: {  	_ =	shalt  }
.Lfunc_end0:
.L_simem_size_0:
called_computation_lowered:
.L_overlay_start_0:
0x88: {  	s2 =	sld [smem:$0x3FD9]  }
0x89: {  	s3 =	sld [smem:$0x3FFE];
	_ =	sdelay $0x1  }
0x8a: {  	s1 =	srdreg.scid  }
0x8b: {  	s0 =	sand.u32 $0x1, s1  }
0x8c: {  	s17 =	sshll.u32 s0, $0xA;
	s2 =	sadd.s32 s3, s2  }
0x8d: {  	s2 =	sadd.s32 s2, s17  }
0x8e: {  	[smem:$0x3FC2] =	sst s2  }
0x8f: {  	_ = 	snop  }
0x90: {  	s2 =	sld [smem:$0x3FD0];
	(tm) =	ssettm $0x1  }
0x91: {  	s18 =	sld [smem:$0x3FFB];
	_ =	sdelay $0x3  }
0x92: {  	_ =	strace s18  }
0x93: {  	s3 =	sld [smem:$0x3FFC];
	_ =	sdelay $0x3  }
0x94: {  	_ =	strace s3  }
0x95: {  	s3 =	sld [smem:$0x3FFD];
	_ =	sdelay $0x3  }
0x96: {  	_ =	strace s3  }
0x97: {  	_ =	strace $0x8FFFFFFF  }
0x98: {  	s19 =	sld [smem:$0x3FDB];
	_ =	sdelay $0x1  }
0x99: {  	s4 =	simm.s32 $_scs_section_size  }
0x9a: {  	s5 =	simm.s32 $_size__tile_overlayer_lowered;
	s6 =	simm.s32 $_tile_overlayer_lowered  }
0x9b: {  	s22 =	simm.s32 $0x1BFF;
	s21 =	sshll.u32 s6, $0x1;
	s3 =	sadd.s32 s4, s19  }
0x9c: {  	s7 =	simm.s32 $0x0;
	s20 =	sshll.u32 s5, $0x1;
	s5 =	sadd.s32 s21, s3  }
0x9d: {  	[timem:s7], [sflag:s22] =	dma.local [hbm:s5], s20  }
0x9e: {  	_ =	swait.ge [sflag:s22], s20  }
0x9f: {  	s4 =	ssub.s32 $0x0, s20;
	[sflag:s22] =	ssyncset.done $0x0  }
0xa0: {  	[sflag:s22] =	ssyncadd.s32 s4;
	_ =	sdelay $0x1  }
0xa1: {  	s23 =	simm.s32 $0x1B8B  }
0xa2: {  	_ =	swait.ge [sflag:s23], $0x1  }
0xa3: {  	[sflag:s23] =	ssyncset.done $0x0  }
0xa4: {  	s25 =	simm.s32 $0x1B8E;
	s24 =	sld [smem:$0x3FFE];
	[sflag:s23] =	ssyncadd.s32 $0xFFFFFFFF  }
0xa5: {  	s26 =	simm.s32 $execute0_lowered;
	[smem:$0x3FD2] =	sst s25  }
0xa6: {  	s5 =	sshll.u32 s26, $0x1;
	_ =	strace $0x80000046;
	[dreg:$0x1] =	wrdreg $0xFFFFFFFF  }
0xa7: {  	s28 =	simm.s32 $_size_execute0_lowered;
	s3 =	sadd.s32 s3, s5;
	[dreg:$0x0] =	wrdreg $0x0  }
0xa8: {  	s5 =	sshll.u32 s28, $0x1;
	[dreg:$0x2] =	wrdreg s3  }
0xa9: {  	[dreg:$0x3] =	wrdreg s5  }
0xaa: {  	[dreg:$0x4] =	wrdreg $0xC0  }
0xab: {  	_ =	task [dreg:s7], $0x5FFFF  }
0xac: {  	[dreg:$0x1] =	wrdreg $0xFFFFFFFF  }
0xad: {  	[dreg:$0x0] =	wrdreg $0x60  }
0xae: {  	[dreg:$0x2] =	wrdreg s24  }
0xaf: {  	[dreg:$0x3] =	wrdreg s2  }
0xb0: {  	[dreg:$0x4] =	wrdreg $0x84000  }
0xb1: {  	[dreg:$0x5] =	wrdreg $0x9  }
0xb2: {  	_ =	task.clear_ibuf [dreg:s7], $0x6FFFF;
	_ =	strace $0x90000046  }
0xb3: {  	s29 =	simm.s32 $0x9;
	_ =	strace $0x80000048  }
0xb4: {  	_ =	swait.ge [sflag:s29], $0x1  }
0xb5: {  	[sflag:s29] =	ssyncadd.s32 $0xFFFFFFFF  }
0xb6: {  	_ =	strace $0x90000048  }
0xb7: {  	_ =	sfence  }
0xb8: {  	s30 =	sld [smem:$0x0];
	_ =	sdelay $0x2  }
0xb9: {  	s31 =	sshll.u32 s1, $0xD;
	s1 =	sshrl.u32 s1, $0x2  }
0xba: {  	s3 =	sand.u32 $0x4000, s31;
	s1 =	sadd.s32 s1, s30  }
0xbb: {  	s0 =	sor.u32 s3, s0;
	s1 =	sshll.u32 s1, $0x11  }
0xbc: {  	s0 =	sor.u32 s1, s0  }
0xbd: {  	s0 =	sadd.s32 $0x8F2B, s0  }
0xbe: {  	[sflag:s0] =	ssyncadd.remote.s32 $0x1  }
0xbf: {  	_ =	sfence.sel $0xFFFF  }
0xc0: {  	[dreg:$0x0] =	wrdreg $0xFFFFFFFF;
	(pc) =	sbr.abs _section_cstart, $3  }
0xc1: {  	[dreg:$0x1] =	wrdreg $0xFFFFFFFF  }
0xc2: {  	_ =	task.clear_ibuf [dreg:s7], $0x2FFFF;
	_ =	strace $0x9FFFFFFF  }
0xc3: {  	(tm) =	ssettm $0x7FFFFFFF  }
tec
execute0_lowered:
.L_overlay_start_1:
0x0: {  	(tag) =	ssettag $0x1  }
0x1: {  	s0 =	rddreg [dreg:$0x0]  }
0x2: {  	s1 =	srdreg.scid;
	s5 =	rddreg [dreg:$0x1]  }
0x3: {  	s2 =	rddreg [dreg:$0x2];
	s21 =	stileid.u32  }
0x4: {  	s3 =	simm.s32 $0x0;
	s28 =	simm.s32 $0x180;
	s1 =	sand.u32 $0x1, s1  }
0x5: {  	s29 =	simm.s32 $0x200;
	s12 =	smul.u32 $0x2800, s21;
	s4 =	sshll.u32 s1, $0x4  }
0x6: {  	s30 =	simm.s32 $0x280;
	s20 =	smul.u32 $0x13C00, s21;
	s4 =	sor.u32 s21, s4  }
0x7: {  	s31 =	simm.s32 $0x300;
	[smem:$0x7FF] =	sst s3;
	s6 =	smul.u32 $0x2800, s4  }
0x8: {  	s7 =	sadd.s32 $0xC6C00, s0;
	s8 =	ssub.s32 $0x2, s1;
	s9 =	smul.u32 $0x27800, s1  }
0x9: {  	s17 =	smul.u32 $0x28000, s1;
	p0 =	seq.s32 s1, $0x1;
	s6 =	sshrl.u32 s6, $0x3  }
0xa: {  	s10 =	sshrl.u32 s8, $0x1;
	s23 =	sshrl.u32 s20, $0x3;
	s14 =	sadd.s32 s5, s6  }
0xb: {  	s15 =	sor.u32 $0x10, s6;
	s11 =	sadd.s32 s7, s6;
	[dreg:$0x4] =	wrdreg s14  }
0xc: {  	s8 =	ssub.s32 s8, s10;
	[dreg:$0x5] =	wrdreg s11;
	s16 =	sadd.s32 s5, s15  }
0xd: {  	s18 =	sor.u32 $0x20, s6;
	s10 =	sadd.s32 s7, s15;
	[dreg:$0x6] =	wrdreg s16  }
0xe: {  	s6 =	sor.u32 $0x30, s6;
	s13 =	sadd.s32 s5, s18;
	[dreg:$0x7] =	wrdreg s10  }
0xf: {  	s4 =	sadd.s32 $0x1400, s0;
	s19 =	sadd.s32 s5, s6;
	[dreg:$0x8] =	wrdreg s13  }
0x10: {  	s11 =	sadd.s32 s12, s17;
	s6 =	sadd.s32 s7, s6;
	[dreg:$0xa] =	wrdreg s19  }
0x11: {  	s12 =	smul.u32 $0x4F000, s21;
	s10 =	sadd.s32 s7, s18;
	[dreg:$0xb] =	wrdreg s6  }
0x12: {  	s22 =	sor.u32 $0x300, s11;
	s24 =	sor.u32 $0x280, s11;
	s26 =	sor.u32 $0x200, s11  }
0x13: {  	s11 =	sor.u32 $0x180, s11;
	[dreg:$0x9] =	wrdreg s10;
	s1 =	sshrl.u32 s22, $0x3  }
0x14: {  	s25 =	sshrl.u32 s24, $0x3;
	s10 =	sshrl.u32 s26, $0x3;
	s11 =	sshrl.u32 s11, $0x3  }
0x15: {  	s22 =	sadd.s32 s4, s23;
	s23 =	sadd.s32 s9, s0;
	s0 =	sadd.s32 $0xD0C00, s0  }
0x16: {  	s24 =	smul.u32 $0x2780, s21;
	s26 =	smax.u32 s8, $0x1;
	s8 =	simm.s32 $0x6  }
0x17: {  	s9 =	simm.s32 $0x4400;
	s21 =	simm.s32 $0x0;
	s13 =	sadd.s32 s1, s7  }
0x18: {  	s14 =	sadd.s32 s1, s5;
	s15 =	sadd.s32 s25, s7;
	s16 =	sadd.s32 s25, s5  }
0x19: {  	s17 =	sadd.s32 s10, s7;
	s18 =	sadd.s32 s10, s5;
	s19 =	sadd.s32 s11, s7  }
0x1a: {  	s20 =	sadd.s32 s11, s5;
	s5 =	sadd.s32 $0x9E000, s22;
	s1 =	sshrl.u32 s12, $0x2  }
0x1b: {  	s25 =	sadd.s32 $0xD3400, s23;
	s7 =	simm.s32 $0x1;
	s10 =	simm.s32 $0x2  }
0x1c: {  	s11 =	simm.s32 $0x3;
	s12 =	simm.s32 $0x7;
	s22 =	simm.s32 $0x4  }
.Ltmp0:
0x1d: {  	s23 =	simm.s32 $0x8;
	s5 =	smov.u32 @p0 s0;
	(pc) =	sbr.rel .LBB2_1-.Ltmp0, $4  }
0x1e: {  	s1 =	sadd.s32 s1, s2;
	s0 =	sadd.s32 s24, s25;
	[dreg:$0xc] =	wrdreg s5  }
0x1f: {  	s25 =	simm.s32 $0x80;
	_ =	strace $0x80000047;
	[dreg:$0xd] =	wrdreg s1  }
0x20: {  	s24 =	simm.s32 $0x9;
	s5 =	simm.s32 $0x400;
	[dreg:$0xe] =	wrdreg s26  }
0x21: {  	[dreg:$0xf] =	wrdreg s0;
	s0 =	simm.s32 $0x380;
	s1 =	simm.s32 $0x5  }
.LBB2_4:
0x22: {  	_ =	swait.ge [sflag:s22], $0x4000  }
0x23: {  	[sflag:s22] =	ssyncset.done $0x0  }
0x24: {  	[sflag:s22] =	ssyncadd.s32 $0xFFFFC000  }
0x25: {  	[bflag:$0x0] =	sbarrier.arrive $0xFFFF  }
0x26: {  	s6 =	rddreg [dreg:$0xf]  }
0x27: {  	s21 =	rddreg [dreg:$0x11]  }
0x28: {  	s24 =	rddreg [dreg:$0x12]  }
0x29: {  	[hbm:s6], [sflag:s21] =	dma.local [spmem:s24], $0x2780  }
0x2a: {  	s24 =	simm.s32 $0x9  }
0x2b: {  	_ =	swait.ge [sflag:s24], $0x2780  }
0x2c: {  	s6 =	rddreg [dreg:$0x10]  }
0x2d: {  	s26 =	rddreg [dreg:$0xe];
	s21 =	sadd.s32 $0x1, s6  }
0x2e: {  	p0 =	sne.s32 s21, s26  }
.Ltmp1:
0x2f: {  	_ = 	snop;
	(pc) =	sbr.rel @!p0 .LBB2_5-.Ltmp1, $3  }
0x30: {  	_ =	sdelay $0x1  }
0x31: {  	[sflag:s24] =	ssyncset.done $0x0  }
0x32: {  	[sflag:s24] =	ssyncadd.s32 $0xFFFFD880  }
.LBB2_1:
0x33: {  	[dreg:$0x10] =	wrdreg s21  }
0x34: {  	s6 =	rddreg [dreg:$0x4]  }
0x35: {  	[tilespmem:s3], [sflag:$0x5] =	stream.linear.gather [hbm4b:s6+s3], $0x80, $0x38;
	[tilespmem:$0x1C000] =	vst v63  }
0x36: {  	s26 =	rddreg [dreg:$0x5]  }
0x37: {  	[tilespmem:s25], [sflag:$0x5] =	stream.linear.gather [hbm4b:s26+s3], $0x80, $0x38;
	[tilespmem:$0x1C000] =	vst v63  }
0x38: {  	s21 =	rddreg [dreg:$0x6];
	s26 =	simm.s32 $0x100  }
0x39: {  	[tilespmem:s26], [sflag:$0x6] =	stream.linear.gather [hbm4b:s21+s3], $0x80, $0x38;
	[tilespmem:$0x1C000] =	vst v63  }
0x3a: {  	s26 =	rddreg [dreg:$0x7]  }
0x3b: {  	[tilespmem:s28], [sflag:$0x6] =	stream.linear.gather [hbm4b:s26+s3], $0x80, $0x38;
	[tilespmem:$0x1C000] =	vst v63  }
0x3c: {  	s21 =	rddreg [dreg:$0x8]  }
0x3d: {  	[tilespmem:s29], [sflag:$0x7] =	stream.linear.gather [hbm4b:s21+s3], $0x80, $0x38;
	[tilespmem:$0x1C000] =	vst v63  }
0x3e: {  	s26 =	rddreg [dreg:$0x9]  }
0x3f: {  	[tilespmem:s30], [sflag:$0x7] =	stream.linear.gather [hbm4b:s26+s3], $0x80, $0x38;
	[tilespmem:$0x1C000] =	vst v63  }
0x40: {  	s21 =	rddreg [dreg:$0xa]  }
0x41: {  	[tilespmem:s31], [sflag:$0x8] =	stream.linear.gather [hbm4b:s21+s3], $0x80, $0x38;
	[tilespmem:$0x1C000] =	vst v63  }
0x42: {  	s26 =	rddreg [dreg:$0xb]  }
0x43: {  	[tilespmem:s0], [sflag:$0x8] =	stream.linear.gather [hbm4b:s26+s3], $0x80, $0x38;
	[tilespmem:$0x1C000] =	vst v63  }
0x44: {  	s21 =	stileid.u32;
	_ =	swait.ge [sflag:s1], $0x80  }
0x45: {  	s6 =	sshll.u32 s21, $0x6;
	[sflag:s1] =	ssyncset.done $0x0  }
0x46: {  	s21 =	sor.u32 $0x1C09, s6;
	[sflag:s1] =	ssyncadd.s32 $0xFFFFFF80  }
0x47: {  	_ =	swait.ge [sflag:s1], $0x80;
	[dreg:$0x11] =	wrdreg s21  }
0x48: {  	[sflag:s1] =	ssyncset.done $0x0;
	s26 =	rddreg [dreg:$0xd]  }
0x49: {  	s6 =	rddreg [dreg:$0xc];
	[sflag:s1] =	ssyncadd.s32 $0xFFFFFF80;
	s26 =	sshrl.u32 s26, $0x3  }
0x4a: {  	[tilespmem:s5], [sflag:$0x1] =	stream.indirect.gather [hbm4b:s4+s25], $0x80, s3, s25, $0xb8;
	[tilespmem:$0x1C000] =	vst v63  }
0x4b: {  	[dreg:$0x12] =	wrdreg s26  }
0x4c: {  	[spmem:s26], [sflag:s21] =	dma.local [hbm:s6], $0x2780  }
0x4d: {  	_ =	swait.ge [sflag:s24], $0x2780  }
0x4e: {  	[sflag:s24] =	ssyncset.done $0x0  }
0x4f: {  	[sflag:s24] =	ssyncadd.s32 $0xFFFFD880  }
0x50: {  	s21 =	simm.s32 $0x0;
	[bflag:$0x0] =	sbarrier.arrive $0xFFFF  }
.LBB2_2:
0x51: {  	_ =	swait.ge [sflag:s7], $0x4000  }
0x52: {  	p0 =	seq.s32 s21, $0x0;
	[sflag:s7] =	ssyncset.done $0x0  }
0x53: {  	s6 =	simm.s32 @!p0 $0x4;
	[sflag:s7] =	ssyncadd.s32 $0xFFFFC000  }
0x54: {  	[spmem:s2] =	stream.indirect.scatter.add.f32 [tilespmem:s5], [sflag:$0x3], $0x80, s25, s25, $0xb8;
	[tilespmem:$0x1C000] =	vst v63  }
0x55: {  	_ =	swait.ge @!p0 [sflag:s6], $0x4000  }
0x56: {  	s24 =	simm.s32 @!p0 $0x0;
	[sflag:s6] =	ssyncset.done @!p0 $0x0  }
0x57: {  	s26 =	simm.s32 @!p0 $0x300;
	[sflag:s6] =	ssyncadd.s32 @!p0 $0xFFFFC000;
	s6 =	sadd.s32 @!p0 s21, s20  }
0x58: {  	[tilespmem:s26], [sflag:$0x8] =	stream.linear.gather @!p0 [hbm4b:s6+s24], $0x80, $0x38;
	[tilespmem:$0x1C000] =	vst v63  }
0x59: {  	s6 =	sadd.s32 @!p0 s21, s19;
	s26 =	simm.s32 @!p0 $0x380  }
0x5a: {  	[tilespmem:s26], [sflag:$0x8] =	stream.linear.gather @!p0 [hbm4b:s6+s24], $0x80, $0x38;
	[tilespmem:$0x1C000] =	vst v63  }
0x5b: {  	_ =	swait.ge [sflag:s8], $0x80  }
0x5c: {  	[sflag:s8] =	ssyncset.done $0x0  }
0x5d: {  	[sflag:s8] =	ssyncadd.s32 $0xFFFFFF80  }
0x5e: {  	_ =	swait.ge [sflag:s8], $0x80  }
0x5f: {  	[sflag:s8] =	ssyncset.done $0x0  }
0x60: {  	s26 =	simm.s32 $0x100;
	[sflag:s8] =	ssyncadd.s32 $0xFFFFFF80  }
0x61: {  	[tilespmem:s9], [sflag:$0x2] =	stream.indirect.gather [hbm4b:s4+s25], $0x80, s26, s25, $0xb8;
	[tilespmem:$0x1C000] =	vst v63  }
0x62: {  	_ =	swait.ge [sflag:s10], $0x4000  }
0x63: {  	[sflag:s10] =	ssyncset.done $0x0  }
0x64: {  	[sflag:s10] =	ssyncadd.s32 $0xFFFFC000  }
0x65: {  	[spmem:s2] =	stream.indirect.scatter.add.f32 [tilespmem:s9], [sflag:$0x4], $0x80, s28, s25, $0xb8;
	[tilespmem:$0x1C000] =	vst v63  }
0x66: {  	_ =	swait.ge [sflag:s11], $0x4000  }
0x67: {  	p0 =	seq.s32 s21, $0x4C0;
	[sflag:s11] =	ssyncset.done $0x0  }
0x68: {  	s6 =	sadd.s32 @!p0 s21, s18;
	s24 =	simm.s32 @!p0 $0x0;
	[sflag:s11] =	ssyncadd.s32 $0xFFFFC000  }
0x69: {  	[tilespmem:s24], [sflag:$0x5] =	stream.linear.gather @!p0 [hbm4b:s6+s24], $0x80, $0x38;
	[tilespmem:$0x1C000] =	vst v63  }
0x6a: {  	s26 =	simm.s32 @!p0 $0x80;
	s6 =	sadd.s32 @!p0 s21, s17  }
0x6b: {  	[tilespmem:s26], [sflag:$0x5] =	stream.linear.gather @!p0 [hbm4b:s6+s24], $0x80, $0x38;
	[tilespmem:$0x1C000] =	vst v63  }
0x6c: {  	_ =	swait.ge [sflag:s12], $0x80  }
0x6d: {  	[sflag:s12] =	ssyncset.done $0x0  }
0x6e: {  	[sflag:s12] =	ssyncadd.s32 $0xFFFFFF80  }
0x6f: {  	_ =	swait.ge [sflag:s12], $0x80  }
0x70: {  	[sflag:s12] =	ssyncset.done $0x0  }
0x71: {  	[sflag:s12] =	ssyncadd.s32 $0xFFFFFF80  }
0x72: {  	[tilespmem:s5], [sflag:$0x1] =	stream.indirect.gather [hbm4b:s4+s25], $0x80, s29, s25, $0xb8;
	[tilespmem:$0x1C000] =	vst v63  }
0x73: {  	_ =	swait.ge [sflag:s7], $0x4000  }
0x74: {  	[sflag:s7] =	ssyncset.done $0x0  }
0x75: {  	[sflag:s7] =	ssyncadd.s32 $0xFFFFC000  }
0x76: {  	[spmem:s2] =	stream.indirect.scatter.add.f32 [tilespmem:s5], [sflag:$0x3], $0x80, s30, s25, $0xb8;
	[tilespmem:$0x1C000] =	vst v63  }
0x77: {  	_ =	swait.ge [sflag:s22], $0x4000  }
0x78: {  	[sflag:s22] =	ssyncset.done $0x0  }
0x79: {  	s6 =	sadd.s32 @!p0 s21, s16;
	s26 =	simm.s32 @!p0 $0x100;
	[sflag:s22] =	ssyncadd.s32 $0xFFFFC000  }
0x7a: {  	[tilespmem:s26], [sflag:$0x6] =	stream.linear.gather @!p0 [hbm4b:s6+s24], $0x80, $0x38;
	[tilespmem:$0x1C000] =	vst v63  }
0x7b: {  	s6 =	sadd.s32 @!p0 s21, s15;
	s26 =	simm.s32 @!p0 $0x180  }
0x7c: {  	[tilespmem:s26], [sflag:$0x6] =	stream.linear.gather @!p0 [hbm4b:s6+s24], $0x80, $0x38;
	[tilespmem:$0x1C000] =	vst v63  }
0x7d: {  	_ =	swait.ge [sflag:s23], $0x80  }
0x7e: {  	[sflag:s23] =	ssyncset.done $0x0  }
0x7f: {  	[sflag:s23] =	ssyncadd.s32 $0xFFFFFF80  }
0x80: {  	_ =	swait.ge [sflag:s23], $0x80  }
0x81: {  	[sflag:s23] =	ssyncset.done $0x0  }
0x82: {  	[sflag:s23] =	ssyncadd.s32 $0xFFFFFF80  }
0x83: {  	[tilespmem:s9], [sflag:$0x2] =	stream.indirect.gather [hbm4b:s4+s25], $0x80, s31, s25, $0xb8;
	[tilespmem:$0x1C000] =	vst v63  }
0x84: {  	_ =	swait.ge [sflag:s10], $0x4000  }
0x85: {  	[sflag:s10] =	ssyncset.done $0x0  }
.Ltmp2:
0x86: {  	[sflag:s10] =	ssyncadd.s32 $0xFFFFC000;
	(pc) =	sbr.rel @p0 .LBB2_4-.Ltmp2, $4  }
0x87: {  	[spmem:s2] =	stream.indirect.scatter.add.f32 [tilespmem:s9], [sflag:$0x4], $0x80, s0, s25, $0xb8;
	[tilespmem:$0x1C000] =	vst v63  }
0x88: {  	_ =	swait.ge [sflag:s11], $0x4000  }
0x89: {  	[sflag:s11] =	ssyncset.done $0x0  }
0x8a: {  	[sflag:s11] =	ssyncadd.s32 $0xFFFFC000  }
0x8b: {  	s6 =	sadd.s32 s21, s14  }
0x8c: {  	[tilespmem:s29], [sflag:$0x7] =	stream.linear.gather [hbm4b:s6+s3], $0x80, $0x38;
	[tilespmem:$0x1C000] =	vst v63  }
0x8d: {  	s26 =	sadd.s32 s21, s13  }
0x8e: {  	[tilespmem:s30], [sflag:$0x7] =	stream.linear.gather [hbm4b:s26+s3], $0x80, $0x38;
	[tilespmem:$0x1C000] =	vst v63  }
0x8f: {  	_ =	swait.ge [sflag:s1], $0x80  }
0x90: {  	[sflag:s1] =	ssyncset.done $0x0  }
.Ltmp3:
0x91: {  	[sflag:s1] =	ssyncadd.s32 $0xFFFFFF80;
	(pc) =	sbr.rel .LBB2_2-.Ltmp3, $4  }
0x92: {  	_ =	swait.ge [sflag:s1], $0x80  }
0x93: {  	[sflag:s1] =	ssyncset.done $0x0  }
0x94: {  	s21 =	sadd.s32 $0x40, s21;
	[sflag:s1] =	ssyncadd.s32 $0xFFFFFF80  }
0x95: {  	[tilespmem:s5], [sflag:$0x1] =	stream.indirect.gather [hbm4b:s4+s25], $0x80, s3, s25, $0xb8;
	[tilespmem:$0x1C000] =	vst v63  }
.LBB2_5:
0x96: {  	_ =	sfence.sel $0x180000  }
0x97: {  	[bflag:$0x0] =	sbarrier.arrive $0xFFFF  }
0x98: {  	_ =	strace $0x90000047  }
0x99: {  	s0 =	stileid.u32;
	[bflag:$0x2] =	sbarrier.arrive $0xFFFF  }
0x9a: {  	p0 =	sne.s32 s0, $0x0;
	s0 =	rddreg [dreg:$0x3]  }
0x9b: {  	s0 =	sadd.s32 @!p0 $0x100000, s0  }
0x9c: {  	[sflag:s0] =	ssyncadd.tile.s32 @!p0 $0x1;
	_ =	shalt  }
.Lfunc_end2:
_tile_overlayer_lowered:
.L_overlay_start_2:
0x9d: {  	(tag) =	ssettag $0x2  }
0x9e: {  	s0 =	rddreg [dreg:$0x0];
	s2 =	stileid.u32  }
0x9f: {  	s1 =	rddreg [dreg:$0x1];
	p0 =	sne.s32 s2, $0x0  }
0xa0: {  	s3 =	rddreg [dreg:$0x2];
	[bflag:$0x3] =	sbarrier.arrive $0xFFFF;
	s2 =	simm.s32 @!p0 $0x1C09  }
0xa1: {  	[timem:s3], [sflag:s2] =	dma.local @!p0 [hbm:s0], s1  }
0xa2: {  	s0 =	simm.s32 @!p0 $0x9  }
0xa3: {  	_ =	swait.ge @!p0 [sflag:s0], s1  }
0xa4: {  	s1 =	ssub.s32 @!p0 $0x0, s1;
	[sflag:s0] =	ssyncset.done @!p0 $0x0  }
0xa5: {  	[sflag:s0] =	ssyncadd.s32 @!p0 s1  }
0xa6: {  	[bflag:$0x3] =	sbarrier.arrive $0xFFFF  }
0xa7: {  	_ =	shalt  }

</sc_bundles>
